<compile_context>
chip_gen: v7x
topology: tpu7x:2x2x1
jax: 0.10.2.dev20260603
libtpu: 0.0.44.dev20260713+nightly
codegen_flags: <defaults>
</compile_context>

<pallas_src>
import functools

import jax
import jax.numpy as jnp
from jax import lax
from jax.experimental import pallas as pl
from jax.experimental.pallas import tpu as pltpu
from jax.experimental.pallas import tpu_sc as plsc

NC = 2
NS = 16
L = 16
NW = NC * NS

B = 1024
S = 16
D = 128
E = 128

B_PER_W = B // NW
ROWS_PER_W = B_PER_W * S
GW = 32
N_CH = ROWS_PER_W // GW
NODES_PER_CH = GW // S

_MESH = plsc.VectorSubcoreMesh(core_axis_name="c", subcore_axis_name="s")


def _sc_gather_mean(features, nodes, neigh_flat):

    @functools.partial(
        pl.kernel,
        out_type=(
            jax.ShapeDtypeStruct((B, D), jnp.float32),
            jax.ShapeDtypeStruct((B, D), jnp.float32),
        ),
        mesh=_MESH,
        scratch_types=[
            pltpu.VMEM((ROWS_PER_W,), jnp.int32),
            pltpu.VMEM((B_PER_W,), jnp.int32),
            pltpu.VMEM((ROWS_PER_W, D), jnp.float32),
            pltpu.VMEM((B_PER_W, D), jnp.float32),
            pltpu.VMEM((B_PER_W, D), jnp.float32),
            pltpu.VMEM_SHARED((NS * B_PER_W, D), jnp.float32),
            [pltpu.SemaphoreType.DMA] * N_CH,
            pltpu.SemaphoreType.DMA,
            pltpu.SemaphoreType.DMA,
        ],
    )
    def k(feat_hbm, nodes_hbm, nidx_hbm, self_out, mean_out,
          nidx_v, sidx_v, rows_v, self_v, mean_v, acc_sh,
          gsems, ssem, asem):
        sid = lax.axis_index("s")
        cid = lax.axis_index("c")
        wid = sid * NC + cid
        base = wid * B_PER_W
        sbase = sid * B_PER_W

        pltpu.sync_copy(nidx_hbm.at[pl.ds(wid * ROWS_PER_W, ROWS_PER_W)],
                        nidx_v)
        pltpu.sync_copy(nodes_hbm.at[pl.ds(base, B_PER_W)], sidx_v)

        gcopies = []
        for j in range(N_CH):
            gcopies.append(pltpu.async_copy(
                feat_hbm.at[nidx_v.at[pl.ds(j * GW, GW)]],
                rows_v.at[pl.ds(j * GW, GW)], gsems[j]))
        self_copy = pltpu.async_copy(feat_hbm.at[sidx_v], self_v, ssem)

        @pl.loop(0, B_PER_W)
        def _(n):
            for c in range(D // L):
                mean_v[n, pl.ds(c * L, L)] = jnp.zeros((L,), jnp.float32)

        pltpu.sync_copy(mean_v, acc_sh.at[pl.ds(sbase, B_PER_W)])

        acopies = []
        for j in range(N_CH):
            gcopies[j].wait()
            for n in range(j * NODES_PER_CH, (j + 1) * NODES_PER_CH):
                dst_rows = (sbase + n) + jnp.zeros((L,), jnp.int32)
                acopies.append(pltpu.async_copy(
                    rows_v.at[pl.ds(n * S, S)],
                    acc_sh.at[dst_rows], asem, add=True))
        for c in acopies:
            c.wait()

        self_copy.wait()
        pltpu.sync_copy(self_v, self_out.at[pl.ds(base, B_PER_W)])
        pltpu.sync_copy(acc_sh.at[pl.ds(sbase, B_PER_W)],
                        mean_out.at[pl.ds(base, B_PER_W)])

    return k(features, nodes, neigh_flat)


def _tc_bmm(selff, meanf, weight):
    Bb = 64

    def body(s_ref, m_ref, w_ref, o_ref):
        c = jnp.concatenate([s_ref[...], m_ref[...] * (1.0 / S)], axis=1)
        acc = jax.lax.dot_general(
            c, w_ref[...],
            dimension_numbers=(((1,), (1,)), ((0,), (0,))),
            preferred_element_type=jnp.float32)
        o_ref[...] = jnp.maximum(acc, 0.0)

    return pl.pallas_call(
        body,
        grid=(B // Bb,),
        in_specs=[
            pl.BlockSpec((Bb, D), lambda i: (i, 0)),
            pl.BlockSpec((Bb, D), lambda i: (i, 0)),
            pl.BlockSpec((Bb, 2 * D, E), lambda i: (i, 0, 0)),
        ],
        out_specs=pl.BlockSpec((Bb, E), lambda i: (i, 0)),
        out_shape=jax.ShapeDtypeStruct((B, E), jnp.float32),
    )(selff, meanf, weight)


def kernel(features, nodes, neigh_idx, weight):
    nodes = nodes.astype(jnp.int32)
    neigh_flat = neigh_idx.astype(jnp.int32).reshape(-1)
    selff, meanf = _sc_gather_mean(features, nodes, neigh_flat)
    return _tc_bmm(selff, meanf, weight)

# --- scband reference (transcript-rebuilt; emitter-appended) ---
"""Pipeline reference for scband-encoder-12240656794040 (READ-ONLY COPY).

The authoritative reference and input builder live on the scoring server;
editing this copy changes nothing except your own understanding.
"""

import jax, jax.numpy as jnp
import numpy as np

N_NODES = 100000
FEAT_DIM = 128
EMBED_DIM = 128
BATCH = 1024
NUM_SAMPLE = 16


def setup_inputs(seed: int = 0) -> dict:
    key = jax.random.key(seed)
    k1, k2, k3, k4 = jax.random.split(key, 4)
    features = jax.random.normal(k1, (N_NODES, FEAT_DIM), dtype=jnp.float32)
    nodes = jax.random.randint(k2, (BATCH,), 0, N_NODES, dtype=jnp.int64) if jax.config.jax_enable_x64 else jax.random.randint(k2, (BATCH,), 0, N_NODES, dtype=jnp.int32)
    neigh_idx = jax.random.randint(k3, (BATCH, NUM_SAMPLE), 0, N_NODES, dtype=nodes.dtype)
    # Learned per-node weight: nn.Parameter(batch_size, 2*feat_dim, embed_dim), xavier_uniform
    fan_in, fan_out = 2 * FEAT_DIM, EMBED_DIM
    bound = float(np.sqrt(6.0 / (fan_in + fan_out)))
    weight = jax.random.uniform(k4, (BATCH, 2 * FEAT_DIM, EMBED_DIM), dtype=jnp.float32, minval=-bound, maxval=bound)
    return {"features": features, "nodes": nodes, "neigh_idx": neigh_idx, "weight": weight}


def reference(features, nodes, neigh_idx, weight):
    # Mean aggregator over sampled neighbors (GraphSage 'convolutional' aggregation)
    neigh_feats = jnp.take(features, neigh_idx, axis=0)          # [B, S, d]
    neigh_feats = jnp.mean(neigh_feats, axis=1)                  # [B, d]
    # self features (gcn=False -> concat self + neighbor feats)
    self_feats = jnp.take(features, nodes, axis=0)               # [B, d]
    combined = jnp.concatenate([self_feats, neigh_feats], axis=1)  # [B, 2d]
    # combined.view(B,1,2d) bmm weight[B,2d,e] -> [B,1,e] -> relu -> [B,e]
    out = jnp.einsum('bi,bio->bo', combined, weight)
    out = jax.nn.relu(out)
    return out

if __name__ == "__main__":
    import jax
    _d = setup_inputs()
    print(jax.jit(kernel)(*tuple(_d.values())))

</pallas_src>

<mosaic_0001>
#map = affine_map<(d0, d1) -> (0, 0)>
#map1 = affine_map<(d0, d1) -> (0)>
module attributes {stable_mosaic.version = 14 : i64} {
  func.func @k(%arg0: i32, %arg1: i32, %arg2: memref<100000x128xf32, #tpu.memory_space<hbm>>, %arg3: memref<1024xi32, #tpu.memory_space<hbm>>, %arg4: memref<16384xi32, #tpu.memory_space<hbm>>, %arg5: memref<1024x128xf32, #tpu.memory_space<hbm>>, %arg6: memref<1024x128xf32, #tpu.memory_space<hbm>>, %arg7: memref<512xi32, #tpu.memory_space<vmem>>, %arg8: memref<32xi32, #tpu.memory_space<vmem>>, %arg9: memref<512x128xf32, #tpu.memory_space<vmem>>, %arg10: memref<32x128xf32, #tpu.memory_space<vmem>>, %arg11: memref<32x128xf32, #tpu.memory_space<vmem>>, %arg12: memref<512x128xf32, #tpu.memory_space<vmem_shared>>, %arg13: memref<!tpu.dma_semaphore, #tpu.memory_space<semaphore_mem>>, %arg14: memref<!tpu.dma_semaphore, #tpu.memory_space<semaphore_mem>>, %arg15: memref<!tpu.dma_semaphore, #tpu.memory_space<semaphore_mem>>, %arg16: memref<!tpu.dma_semaphore, #tpu.memory_space<semaphore_mem>>, %arg17: memref<!tpu.dma_semaphore, #tpu.memory_space<semaphore_mem>>, %arg18: memref<!tpu.dma_semaphore, #tpu.memory_space<semaphore_mem>>, %arg19: memref<!tpu.dma_semaphore, #tpu.memory_space<semaphore_mem>>, %arg20: memref<!tpu.dma_semaphore, #tpu.memory_space<semaphore_mem>>, %arg21: memref<!tpu.dma_semaphore, #tpu.memory_space<semaphore_mem>>, %arg22: memref<!tpu.dma_semaphore, #tpu.memory_space<semaphore_mem>>, %arg23: memref<!tpu.dma_semaphore, #tpu.memory_space<semaphore_mem>>, %arg24: memref<!tpu.dma_semaphore, #tpu.memory_space<semaphore_mem>>, %arg25: memref<!tpu.dma_semaphore, #tpu.memory_space<semaphore_mem>>, %arg26: memref<!tpu.dma_semaphore, #tpu.memory_space<semaphore_mem>>, %arg27: memref<!tpu.dma_semaphore, #tpu.memory_space<semaphore_mem>>, %arg28: memref<!tpu.dma_semaphore, #tpu.memory_space<semaphore_mem>>, %arg29: memref<!tpu.dma_semaphore, #tpu.memory_space<semaphore_mem>>, %arg30: memref<!tpu.dma_semaphore, #tpu.memory_space<semaphore_mem>>) attributes {dimension_semantics = [#tpu.dimension_semantics<core_parallel>, #tpu.dimension_semantics<subcore_parallel>], iteration_bounds = array<i64: 2, 16>, scalar_prefetch = 0 : i64, scratch_operands = 24 : i64, tpu.core_type = #tpu.core_type<sc_vector_subcore>, window_params = [{transform_indices = #map}, {transform_indices = #map1}, {transform_indices = #map1}, {transform_indices = #map}, {transform_indices = #map}]} {
    %mul3A = arith.constant 2 : i32
    %mul3A_0 = arith.muli %arg1, %mul3A : i32
    %add3A = arith.addi %mul3A_0, %arg0 : i32
    %mul3A_1 = arith.constant 32 : i32
    %mul3A_2 = arith.muli %add3A, %mul3A_1 : i32
    %mul3A_3 = arith.constant 32 : i32
    %mul3A_4 = arith.muli %arg1, %mul3A_3 : i32
    %mul3A_5 = arith.constant 512 : i32
    %mul3A_6 = arith.muli %add3A, %mul3A_5 : i32
    "tpu.region"() ({
      %run_scoped3A = tpu.sem_alloc : memref<!tpu.dma_semaphore, #tpu.memory_space<semaphore_mem>>
      %dma_start3A_846 = tpu.memref_slice %arg4[%mul3A_6] : memref<16384xi32, #tpu.memory_space<hbm>> -> memref<512xi32, #tpu.memory_space<hbm>>
      %dma_start3A_847 = tpu.memref_slice %arg4[%mul3A_6] : memref<16384xi32, #tpu.memory_space<hbm>> -> memref<512xi32, #tpu.memory_space<hbm>>
      tpu.enqueue_dma source(%dma_start3A_847 : memref<512xi32, #tpu.memory_space<hbm>>) target(%arg7 : memref<512xi32, #tpu.memory_space<vmem>>) target_semaphore(%run_scoped3A : memref<!tpu.dma_semaphore, #tpu.memory_space<semaphore_mem>>)
      %dma_wait3A_848 = tpu.memref_slice %arg4[%mul3A_6] : memref<16384xi32, #tpu.memory_space<hbm>> -> memref<512xi32, #tpu.memory_space<hbm>>
      %dma_wait3A_849 = tpu.memref_slice %arg4[%mul3A_6] : memref<16384xi32, #tpu.memory_space<hbm>> -> memref<512xi32, #tpu.memory_space<hbm>>
      tpu.wait_dma2 semaphore(%run_scoped3A : memref<!tpu.dma_semaphore, #tpu.memory_space<semaphore_mem>>) src(%dma_wait3A_849 : memref<512xi32, #tpu.memory_space<hbm>>) dst(%arg7 : memref<512xi32, #tpu.memory_space<vmem>>)
      tpu.yield
    }) : () -> ()
    "tpu.region"() ({
      %run_scoped3A = tpu.sem_alloc : memref<!tpu.dma_semaphore, #tpu.memory_space<semaphore_mem>>
      %dma_start3A_846 = tpu.memref_slice %arg3[%mul3A_2] : memref<1024xi32, #tpu.memory_space<hbm>> -> memref<32xi32, #tpu.memory_space<hbm>>
      %dma_start3A_847 = tpu.memref_slice %arg3[%mul3A_2] : memref<1024xi32, #tpu.memory_space<hbm>> -> memref<32xi32, #tpu.memory_space<hbm>>
      tpu.enqueue_dma source(%dma_start3A_847 : memref<32xi32, #tpu.memory_space<hbm>>) target(%arg8 : memref<32xi32, #tpu.memory_space<vmem>>) target_semaphore(%run_scoped3A : memref<!tpu.dma_semaphore, #tpu.memory_space<semaphore_mem>>)
      %dma_wait3A_848 = tpu.memref_slice %arg3[%mul3A_2] : memref<1024xi32, #tpu.memory_space<hbm>> -> memref<32xi32, #tpu.memory_space<hbm>>
      %dma_wait3A_849 = tpu.memref_slice %arg3[%mul3A_2] : memref<1024xi32, #tpu.memory_space<hbm>> -> memref<32xi32, #tpu.memory_space<hbm>>
      tpu.wait_dma2 semaphore(%run_scoped3A : memref<!tpu.dma_semaphore, #tpu.memory_space<semaphore_mem>>) src(%dma_wait3A_849 : memref<32xi32, #tpu.memory_space<hbm>>) dst(%arg8 : memref<32xi32, #tpu.memory_space<vmem>>)
      tpu.yield
    }) : () -> ()
    %dma_start3A = arith.constant 0 : i32
    %dma_start3A_7 = arith.constant 0 : i32
    %dma_start3A_8 = tpu.memref_slice %arg9[%dma_start3A, %dma_start3A_7] : memref<512x128xf32, #tpu.memory_space<vmem>> -> memref<32x128xf32, #tpu.memory_space<vmem>>
    %dma_start3A_9 = arith.constant 0 : i32
    %dma_start3A_10 = tpu.memref_slice %arg7[%dma_start3A_9] : memref<512xi32, #tpu.memory_space<vmem>> -> memref<32xi32, #tpu.memory_space<vmem>>
    %dma_start3A_11 = arith.constant 0 : i32
    %dma_start3A_12 = arith.constant 0 : i32
    %dma_start3A_13 = tpu.memref_slice %arg2[%dma_start3A_11, %dma_start3A_12] : memref<100000x128xf32, #tpu.memory_space<hbm>> -> memref<100000x128xf32, #tpu.memory_space<hbm>>
    tpu.enqueue_indirect_dma source(%dma_start3A_13 : memref<100000x128xf32, #tpu.memory_space<hbm>>) target(%dma_start3A_8 : memref<32x128xf32, #tpu.memory_space<vmem>>) offsets(%dma_start3A_10 : memref<32xi32, #tpu.memory_space<vmem>>) semaphore(%arg13 : memref<!tpu.dma_semaphore, #tpu.memory_space<semaphore_mem>>)
    %dma_start3A_14 = arith.constant 32 : i32
    %dma_start3A_15 = arith.constant 0 : i32
    %dma_start3A_16 = tpu.memref_slice %arg9[%dma_start3A_14, %dma_start3A_15] : memref<512x128xf32, #tpu.memory_space<vmem>> -> memref<32x128xf32, #tpu.memory_space<vmem>>
    %dma_start3A_17 = arith.constant 32 : i32
    %dma_start3A_18 = tpu.memref_slice %arg7[%dma_start3A_17] : memref<512xi32, #tpu.memory_space<vmem>> -> memref<32xi32, #tpu.memory_space<vmem>>
    %dma_start3A_19 = arith.constant 0 : i32
    %dma_start3A_20 = arith.constant 0 : i32
    %dma_start3A_21 = tpu.memref_slice %arg2[%dma_start3A_19, %dma_start3A_20] : memref<100000x128xf32, #tpu.memory_space<hbm>> -> memref<100000x128xf32, #tpu.memory_space<hbm>>
    tpu.enqueue_indirect_dma source(%dma_start3A_21 : memref<100000x128xf32, #tpu.memory_space<hbm>>) target(%dma_start3A_16 : memref<32x128xf32, #tpu.memory_space<vmem>>) offsets(%dma_start3A_18 : memref<32xi32, #tpu.memory_space<vmem>>) semaphore(%arg14 : memref<!tpu.dma_semaphore, #tpu.memory_space<semaphore_mem>>)
    %dma_start3A_22 = arith.constant 64 : i32
    %dma_start3A_23 = arith.constant 0 : i32
    %dma_start3A_24 = tpu.memref_slice %arg9[%dma_start3A_22, %dma_start3A_23] : memref<512x128xf32, #tpu.memory_space<vmem>> -> memref<32x128xf32, #tpu.memory_space<vmem>>
    %dma_start3A_25 = arith.constant 64 : i32
    %dma_start3A_26 = tpu.memref_slice %arg7[%dma_start3A_25] : memref<512xi32, #tpu.memory_space<vmem>> -> memref<32xi32, #tpu.memory_space<vmem>>
    %dma_start3A_27 = arith.constant 0 : i32
    %dma_start3A_28 = arith.constant 0 : i32
    %dma_start3A_29 = tpu.memref_slice %arg2[%dma_start3A_27, %dma_start3A_28] : memref<100000x128xf32, #tpu.memory_space<hbm>> -> memref<100000x128xf32, #tpu.memory_space<hbm>>
    tpu.enqueue_indirect_dma source(%dma_start3A_29 : memref<100000x128xf32, #tpu.memory_space<hbm>>) target(%dma_start3A_24 : memref<32x128xf32, #tpu.memory_space<vmem>>) offsets(%dma_start3A_26 : memref<32xi32, #tpu.memory_space<vmem>>) semaphore(%arg15 : memref<!tpu.dma_semaphore, #tpu.memory_space<semaphore_mem>>)
    %dma_start3A_30 = arith.constant 96 : i32
    %dma_start3A_31 = arith.constant 0 : i32
    %dma_start3A_32 = tpu.memref_slice %arg9[%dma_start3A_30, %dma_start3A_31] : memref<512x128xf32, #tpu.memory_space<vmem>> -> memref<32x128xf32, #tpu.memory_space<vmem>>
    %dma_start3A_33 = arith.constant 96 : i32
    %dma_start3A_34 = tpu.memref_slice %arg7[%dma_start3A_33] : memref<512xi32, #tpu.memory_space<vmem>> -> memref<32xi32, #tpu.memory_space<vmem>>
    %dma_start3A_35 = arith.constant 0 : i32
    %dma_start3A_36 = arith.constant 0 : i32
    %dma_start3A_37 = tpu.memref_slice %arg2[%dma_start3A_35, %dma_start3A_36] : memref<100000x128xf32, #tpu.memory_space<hbm>> -> memref<100000x128xf32, #tpu.memory_space<hbm>>
    tpu.enqueue_indirect_dma source(%dma_start3A_37 : memref<100000x128xf32, #tpu.memory_space<hbm>>) target(%dma_start3A_32 : memref<32x128xf32, #tpu.memory_space<vmem>>) offsets(%dma_start3A_34 : memref<32xi32, #tpu.memory_space<vmem>>) semaphore(%arg16 : memref<!tpu.dma_semaphore, #tpu.memory_space<semaphore_mem>>)
    %dma_start3A_38 = arith.constant 128 : i32
    %dma_start3A_39 = arith.constant 0 : i32
    %dma_start3A_40 = tpu.memref_slice %arg9[%dma_start3A_38, %dma_start3A_39] : memref<512x128xf32, #tpu.memory_space<vmem>> -> memref<32x128xf32, #tpu.memory_space<vmem>>
    %dma_start3A_41 = arith.constant 128 : i32
    %dma_start3A_42 = tpu.memref_slice %arg7[%dma_start3A_41] : memref<512xi32, #tpu.memory_space<vmem>> -> memref<32xi32, #tpu.memory_space<vmem>>
    %dma_start3A_43 = arith.constant 0 : i32
    %dma_start3A_44 = arith.constant 0 : i32
    %dma_start3A_45 = tpu.memref_slice %arg2[%dma_start3A_43, %dma_start3A_44] : memref<100000x128xf32, #tpu.memory_space<hbm>> -> memref<100000x128xf32, #tpu.memory_space<hbm>>
    tpu.enqueue_indirect_dma source(%dma_start3A_45 : memref<100000x128xf32, #tpu.memory_space<hbm>>) target(%dma_start3A_40 : memref<32x128xf32, #tpu.memory_space<vmem>>) offsets(%dma_start3A_42 : memref<32xi32, #tpu.memory_space<vmem>>) semaphore(%arg17 : memref<!tpu.dma_semaphore, #tpu.memory_space<semaphore_mem>>)
    %dma_start3A_46 = arith.constant 160 : i32
    %dma_start3A_47 = arith.constant 0 : i32
    %dma_start3A_48 = tpu.memref_slice %arg9[%dma_start3A_46, %dma_start3A_47] : memref<512x128xf32, #tpu.memory_space<vmem>> -> memref<32x128xf32, #tpu.memory_space<vmem>>
    %dma_start3A_49 = arith.constant 160 : i32
    %dma_start3A_50 = tpu.memref_slice %arg7[%dma_start3A_49] : memref<512xi32, #tpu.memory_space<vmem>> -> memref<32xi32, #tpu.memory_space<vmem>>
    %dma_start3A_51 = arith.constant 0 : i32
    %dma_start3A_52 = arith.constant 0 : i32
    %dma_start3A_53 = tpu.memref_slice %arg2[%dma_start3A_51, %dma_start3A_52] : memref<100000x128xf32, #tpu.memory_space<hbm>> -> memref<100000x128xf32, #tpu.memory_space<hbm>>
    tpu.enqueue_indirect_dma source(%dma_start3A_53 : memref<100000x128xf32, #tpu.memory_space<hbm>>) target(%dma_start3A_48 : memref<32x128xf32, #tpu.memory_space<vmem>>) offsets(%dma_start3A_50 : memref<32xi32, #tpu.memory_space<vmem>>) semaphore(%arg18 : memref<!tpu.dma_semaphore, #tpu.memory_space<semaphore_mem>>)
    %dma_start3A_54 = arith.constant 192 : i32
    %dma_start3A_55 = arith.constant 0 : i32
    %dma_start3A_56 = tpu.memref_slice %arg9[%dma_start3A_54, %dma_start3A_55] : memref<512x128xf32, #tpu.memory_space<vmem>> -> memref<32x128xf32, #tpu.memory_space<vmem>>
    %dma_start3A_57 = arith.constant 192 : i32
    %dma_start3A_58 = tpu.memref_slice %arg7[%dma_start3A_57] : memref<512xi32, #tpu.memory_space<vmem>> -> memref<32xi32, #tpu.memory_space<vmem>>
    %dma_start3A_59 = arith.constant 0 : i32
    %dma_start3A_60 = arith.constant 0 : i32
    %dma_start3A_61 = tpu.memref_slice %arg2[%dma_start3A_59, %dma_start3A_60] : memref<100000x128xf32, #tpu.memory_space<hbm>> -> memref<100000x128xf32, #tpu.memory_space<hbm>>
    tpu.enqueue_indirect_dma source(%dma_start3A_61 : memref<100000x128xf32, #tpu.memory_space<hbm>>) target(%dma_start3A_56 : memref<32x128xf32, #tpu.memory_space<vmem>>) offsets(%dma_start3A_58 : memref<32xi32, #tpu.memory_space<vmem>>) semaphore(%arg19 : memref<!tpu.dma_semaphore, #tpu.memory_space<semaphore_mem>>)
    %dma_start3A_62 = arith.constant 224 : i32
    %dma_start3A_63 = arith.constant 0 : i32
    %dma_start3A_64 = tpu.memref_slice %arg9[%dma_start3A_62, %dma_start3A_63] : memref<512x128xf32, #tpu.memory_space<vmem>> -> memref<32x128xf32, #tpu.memory_space<vmem>>
    %dma_start3A_65 = arith.constant 224 : i32
    %dma_start3A_66 = tpu.memref_slice %arg7[%dma_start3A_65] : memref<512xi32, #tpu.memory_space<vmem>> -> memref<32xi32, #tpu.memory_space<vmem>>
    %dma_start3A_67 = arith.constant 0 : i32
    %dma_start3A_68 = arith.constant 0 : i32
    %dma_start3A_69 = tpu.memref_slice %arg2[%dma_start3A_67, %dma_start3A_68] : memref<100000x128xf32, #tpu.memory_space<hbm>> -> memref<100000x128xf32, #tpu.memory_space<hbm>>
    tpu.enqueue_indirect_dma source(%dma_start3A_69 : memref<100000x128xf32, #tpu.memory_space<hbm>>) target(%dma_start3A_64 : memref<32x128xf32, #tpu.memory_space<vmem>>) offsets(%dma_start3A_66 : memref<32xi32, #tpu.memory_space<vmem>>) semaphore(%arg20 : memref<!tpu.dma_semaphore, #tpu.memory_space<semaphore_mem>>)
    %dma_start3A_70 = arith.constant 256 : i32
    %dma_start3A_71 = arith.constant 0 : i32
    %dma_start3A_72 = tpu.memref_slice %arg9[%dma_start3A_70, %dma_start3A_71] : memref<512x128xf32, #tpu.memory_space<vmem>> -> memref<32x128xf32, #tpu.memory_space<vmem>>
    %dma_start3A_73 = arith.constant 256 : i32
    %dma_start3A_74 = tpu.memref_slice %arg7[%dma_start3A_73] : memref<512xi32, #tpu.memory_space<vmem>> -> memref<32xi32, #tpu.memory_space<vmem>>
    %dma_start3A_75 = arith.constant 0 : i32
    %dma_start3A_76 = arith.constant 0 : i32
    %dma_start3A_77 = tpu.memref_slice %arg2[%dma_start3A_75, %dma_start3A_76] : memref<100000x128xf32, #tpu.memory_space<hbm>> -> memref<100000x128xf32, #tpu.memory_space<hbm>>
    tpu.enqueue_indirect_dma source(%dma_start3A_77 : memref<100000x128xf32, #tpu.memory_space<hbm>>) target(%dma_start3A_72 : memref<32x128xf32, #tpu.memory_space<vmem>>) offsets(%dma_start3A_74 : memref<32xi32, #tpu.memory_space<vmem>>) semaphore(%arg21 : memref<!tpu.dma_semaphore, #tpu.memory_space<semaphore_mem>>)
    %dma_start3A_78 = arith.constant 288 : i32
    %dma_start3A_79 = arith.constant 0 : i32
    %dma_start3A_80 = tpu.memref_slice %arg9[%dma_start3A_78, %dma_start3A_79] : memref<512x128xf32, #tpu.memory_space<vmem>> -> memref<32x128xf32, #tpu.memory_space<vmem>>
    %dma_start3A_81 = arith.constant 288 : i32
    %dma_start3A_82 = tpu.memref_slice %arg7[%dma_start3A_81] : memref<512xi32, #tpu.memory_space<vmem>> -> memref<32xi32, #tpu.memory_space<vmem>>
    %dma_start3A_83 = arith.constant 0 : i32
    %dma_start3A_84 = arith.constant 0 : i32
    %dma_start3A_85 = tpu.memref_slice %arg2[%dma_start3A_83, %dma_start3A_84] : memref<100000x128xf32, #tpu.memory_space<hbm>> -> memref<100000x128xf32, #tpu.memory_space<hbm>>
    tpu.enqueue_indirect_dma source(%dma_start3A_85 : memref<100000x128xf32, #tpu.memory_space<hbm>>) target(%dma_start3A_80 : memref<32x128xf32, #tpu.memory_space<vmem>>) offsets(%dma_start3A_82 : memref<32xi32, #tpu.memory_space<vmem>>) semaphore(%arg22 : memref<!tpu.dma_semaphore, #tpu.memory_space<semaphore_mem>>)
    %dma_start3A_86 = arith.constant 320 : i32
    %dma_start3A_87 = arith.constant 0 : i32
    %dma_start3A_88 = tpu.memref_slice %arg9[%dma_start3A_86, %dma_start3A_87] : memref<512x128xf32, #tpu.memory_space<vmem>> -> memref<32x128xf32, #tpu.memory_space<vmem>>
    %dma_start3A_89 = arith.constant 320 : i32
    %dma_start3A_90 = tpu.memref_slice %arg7[%dma_start3A_89] : memref<512xi32, #tpu.memory_space<vmem>> -> memref<32xi32, #tpu.memory_space<vmem>>
    %dma_start3A_91 = arith.constant 0 : i32
    %dma_start3A_92 = arith.constant 0 : i32
    %dma_start3A_93 = tpu.memref_slice %arg2[%dma_start3A_91, %dma_start3A_92] : memref<100000x128xf32, #tpu.memory_space<hbm>> -> memref<100000x128xf32, #tpu.memory_space<hbm>>
    tpu.enqueue_indirect_dma source(%dma_start3A_93 : memref<100000x128xf32, #tpu.memory_space<hbm>>) target(%dma_start3A_88 : memref<32x128xf32, #tpu.memory_space<vmem>>) offsets(%dma_start3A_90 : memref<32xi32, #tpu.memory_space<vmem>>) semaphore(%arg23 : memref<!tpu.dma_semaphore, #tpu.memory_space<semaphore_mem>>)
    %dma_start3A_94 = arith.constant 352 : i32
    %dma_start3A_95 = arith.constant 0 : i32
    %dma_start3A_96 = tpu.memref_slice %arg9[%dma_start3A_94, %dma_start3A_95] : memref<512x128xf32, #tpu.memory_space<vmem>> -> memref<32x128xf32, #tpu.memory_space<vmem>>
    %dma_start3A_97 = arith.constant 352 : i32
    %dma_start3A_98 = tpu.memref_slice %arg7[%dma_start3A_97] : memref<512xi32, #tpu.memory_space<vmem>> -> memref<32xi32, #tpu.memory_space<vmem>>
    %dma_start3A_99 = arith.constant 0 : i32
    %dma_start3A_100 = arith.constant 0 : i32
    %dma_start3A_101 = tpu.memref_slice %arg2[%dma_start3A_99, %dma_start3A_100] : memref<100000x128xf32, #tpu.memory_space<hbm>> -> memref<100000x128xf32, #tpu.memory_space<hbm>>
    tpu.enqueue_indirect_dma source(%dma_start3A_101 : memref<100000x128xf32, #tpu.memory_space<hbm>>) target(%dma_start3A_96 : memref<32x128xf32, #tpu.memory_space<vmem>>) offsets(%dma_start3A_98 : memref<32xi32, #tpu.memory_space<vmem>>) semaphore(%arg24 : memref<!tpu.dma_semaphore, #tpu.memory_space<semaphore_mem>>)
    %dma_start3A_102 = arith.constant 384 : i32
    %dma_start3A_103 = arith.constant 0 : i32
    %dma_start3A_104 = tpu.memref_slice %arg9[%dma_start3A_102, %dma_start3A_103] : memref<512x128xf32, #tpu.memory_space<vmem>> -> memref<32x128xf32, #tpu.memory_space<vmem>>
    %dma_start3A_105 = arith.constant 384 : i32
    %dma_start3A_106 = tpu.memref_slice %arg7[%dma_start3A_105] : memref<512xi32, #tpu.memory_space<vmem>> -> memref<32xi32, #tpu.memory_space<vmem>>
    %dma_start3A_107 = arith.constant 0 : i32
    %dma_start3A_108 = arith.constant 0 : i32
    %dma_start3A_109 = tpu.memref_slice %arg2[%dma_start3A_107, %dma_start3A_108] : memref<100000x128xf32, #tpu.memory_space<hbm>> -> memref<100000x128xf32, #tpu.memory_space<hbm>>
    tpu.enqueue_indirect_dma source(%dma_start3A_109 : memref<100000x128xf32, #tpu.memory_space<hbm>>) target(%dma_start3A_104 : memref<32x128xf32, #tpu.memory_space<vmem>>) offsets(%dma_start3A_106 : memref<32xi32, #tpu.memory_space<vmem>>) semaphore(%arg25 : memref<!tpu.dma_semaphore, #tpu.memory_space<semaphore_mem>>)
    %dma_start3A_110 = arith.constant 416 : i32
    %dma_start3A_111 = arith.constant 0 : i32
    %dma_start3A_112 = tpu.memref_slice %arg9[%dma_start3A_110, %dma_start3A_111] : memref<512x128xf32, #tpu.memory_space<vmem>> -> memref<32x128xf32, #tpu.memory_space<vmem>>
    %dma_start3A_113 = arith.constant 416 : i32
    %dma_start3A_114 = tpu.memref_slice %arg7[%dma_start3A_113] : memref<512xi32, #tpu.memory_space<vmem>> -> memref<32xi32, #tpu.memory_space<vmem>>
    %dma_start3A_115 = arith.constant 0 : i32
    %dma_start3A_116 = arith.constant 0 : i32
    %dma_start3A_117 = tpu.memref_slice %arg2[%dma_start3A_115, %dma_start3A_116] : memref<100000x128xf32, #tpu.memory_space<hbm>> -> memref<100000x128xf32, #tpu.memory_space<hbm>>
    tpu.enqueue_indirect_dma source(%dma_start3A_117 : memref<100000x128xf32, #tpu.memory_space<hbm>>) target(%dma_start3A_112 : memref<32x128xf32, #tpu.memory_space<vmem>>) offsets(%dma_start3A_114 : memref<32xi32, #tpu.memory_space<vmem>>) semaphore(%arg26 : memref<!tpu.dma_semaphore, #tpu.memory_space<semaphore_mem>>)
    %dma_start3A_118 = arith.constant 448 : i32
    %dma_start3A_119 = arith.constant 0 : i32
    %dma_start3A_120 = tpu.memref_slice %arg9[%dma_start3A_118, %dma_start3A_119] : memref<512x128xf32, #tpu.memory_space<vmem>> -> memref<32x128xf32, #tpu.memory_space<vmem>>
    %dma_start3A_121 = arith.constant 448 : i32
    %dma_start3A_122 = tpu.memref_slice %arg7[%dma_start3A_121] : memref<512xi32, #tpu.memory_space<vmem>> -> memref<32xi32, #tpu.memory_space<vmem>>
    %dma_start3A_123 = arith.constant 0 : i32
    %dma_start3A_124 = arith.constant 0 : i32
    %dma_start3A_125 = tpu.memref_slice %arg2[%dma_start3A_123, %dma_start3A_124] : memref<100000x128xf32, #tpu.memory_space<hbm>> -> memref<100000x128xf32, #tpu.memory_space<hbm>>
    tpu.enqueue_indirect_dma source(%dma_start3A_125 : memref<100000x128xf32, #tpu.memory_space<hbm>>) target(%dma_start3A_120 : memref<32x128xf32, #tpu.memory_space<vmem>>) offsets(%dma_start3A_122 : memref<32xi32, #tpu.memory_space<vmem>>) semaphore(%arg27 : memref<!tpu.dma_semaphore, #tpu.memory_space<semaphore_mem>>)
    %dma_start3A_126 = arith.constant 480 : i32
    %dma_start3A_127 = arith.constant 0 : i32
    %dma_start3A_128 = tpu.memref_slice %arg9[%dma_start3A_126, %dma_start3A_127] : memref<512x128xf32, #tpu.memory_space<vmem>> -> memref<32x128xf32, #tpu.memory_space<vmem>>
    %dma_start3A_129 = arith.constant 480 : i32
    %dma_start3A_130 = tpu.memref_slice %arg7[%dma_start3A_129] : memref<512xi32, #tpu.memory_space<vmem>> -> memref<32xi32, #tpu.memory_space<vmem>>
    %dma_start3A_131 = arith.constant 0 : i32
    %dma_start3A_132 = arith.constant 0 : i32
    %dma_start3A_133 = tpu.memref_slice %arg2[%dma_start3A_131, %dma_start3A_132] : memref<100000x128xf32, #tpu.memory_space<hbm>> -> memref<100000x128xf32, #tpu.memory_space<hbm>>
    tpu.enqueue_indirect_dma source(%dma_start3A_133 : memref<100000x128xf32, #tpu.memory_space<hbm>>) target(%dma_start3A_128 : memref<32x128xf32, #tpu.memory_space<vmem>>) offsets(%dma_start3A_130 : memref<32xi32, #tpu.memory_space<vmem>>) semaphore(%arg28 : memref<!tpu.dma_semaphore, #tpu.memory_space<semaphore_mem>>)
    %dma_start3A_134 = arith.constant 0 : i32
    %dma_start3A_135 = arith.constant 0 : i32
    %dma_start3A_136 = tpu.memref_slice %arg2[%dma_start3A_134, %dma_start3A_135] : memref<100000x128xf32, #tpu.memory_space<hbm>> -> memref<100000x128xf32, #tpu.memory_space<hbm>>
    tpu.enqueue_indirect_dma source(%dma_start3A_136 : memref<100000x128xf32, #tpu.memory_space<hbm>>) target(%arg10 : memref<32x128xf32, #tpu.memory_space<vmem>>) offsets(%arg8 : memref<32xi32, #tpu.memory_space<vmem>>) semaphore(%arg29 : memref<!tpu.dma_semaphore, #tpu.memory_space<semaphore_mem>>)
    %scan3A = arith.constant 0 : i32
    %scan3A_137 = arith.constant 32 : i32
    %scan3A_138 = arith.addi %scan3A, %scan3A_137 : i32
    %scan3A_139 = arith.constant 1 : i32
    scf.for %scan3A_846 = %scan3A to %scan3A_138 step %scan3A_139  : i32 {
      %mul3A_847 = arith.constant 1 : i32
      %mul3A_848 = arith.muli %scan3A_846, %mul3A_847 : i32
      %add3A_849 = arith.constant 0 : i32
      %add3A_850 = arith.addi %add3A_849, %mul3A_848 : i32
      %broadcast_in_dim3A_851 = arith.constant 0.000000e+00 : f32
      %broadcast_in_dim3A_852 = vector.broadcast %broadcast_in_dim3A_851 : f32 to vector<16xf32>
      %swap3A = arith.index_cast %add3A_850 : i32 to index
      %swap3A_853 = arith.constant 0 : index
      %swap3A_854 = tpu.vector_load %arg11[%swap3A, %swap3A_853] {strides = array<i32>} : memref<32x128xf32, #tpu.memory_space<vmem>>, vector<1x16xf32>,
      %swap3A_855 = vector.shape_cast %swap3A_854 : vector<1x16xf32> to vector<16xf32>
      %swap3A_856 = vector.shape_cast %broadcast_in_dim3A_852 : vector<16xf32> to vector<1x16xf32>
      tpu.vector_store %arg11[%swap3A, %swap3A_853], %swap3A_856 {strides = array<i32>} : memref<32x128xf32, #tpu.memory_space<vmem>>, vector<1x16xf32>,
      %broadcast_in_dim3A_857 = arith.constant 0.000000e+00 : f32
      %broadcast_in_dim3A_858 = vector.broadcast %broadcast_in_dim3A_857 : f32 to vector<16xf32>
      %swap3A_859 = arith.index_cast %add3A_850 : i32 to index
      %swap3A_860 = arith.constant 16 : index
      %swap3A_861 = tpu.vector_load %arg11[%swap3A_859, %swap3A_860] {strides = array<i32>} : memref<32x128xf32, #tpu.memory_space<vmem>>, vector<1x16xf32>,
      %swap3A_862 = vector.shape_cast %swap3A_861 : vector<1x16xf32> to vector<16xf32>
      %swap3A_863 = vector.shape_cast %broadcast_in_dim3A_858 : vector<16xf32> to vector<1x16xf32>
      tpu.vector_store %arg11[%swap3A_859, %swap3A_860], %swap3A_863 {strides = array<i32>} : memref<32x128xf32, #tpu.memory_space<vmem>>, vector<1x16xf32>,
      %broadcast_in_dim3A_864 = arith.constant 0.000000e+00 : f32
      %broadcast_in_dim3A_865 = vector.broadcast %broadcast_in_dim3A_864 : f32 to vector<16xf32>
      %swap3A_866 = arith.index_cast %add3A_850 : i32 to index
      %swap3A_867 = arith.constant 32 : index
      %swap3A_868 = tpu.vector_load %arg11[%swap3A_866, %swap3A_867] {strides = array<i32>} : memref<32x128xf32, #tpu.memory_space<vmem>>, vector<1x16xf32>,
      %swap3A_869 = vector.shape_cast %swap3A_868 : vector<1x16xf32> to vector<16xf32>
      %swap3A_870 = vector.shape_cast %broadcast_in_dim3A_865 : vector<16xf32> to vector<1x16xf32>
      tpu.vector_store %arg11[%swap3A_866, %swap3A_867], %swap3A_870 {strides = array<i32>} : memref<32x128xf32, #tpu.memory_space<vmem>>, vector<1x16xf32>,
      %broadcast_in_dim3A_871 = arith.constant 0.000000e+00 : f32
      %broadcast_in_dim3A_872 = vector.broadcast %broadcast_in_dim3A_871 : f32 to vector<16xf32>
      %swap3A_873 = arith.index_cast %add3A_850 : i32 to index
      %swap3A_874 = arith.constant 48 : index
      %swap3A_875 = tpu.vector_load %arg11[%swap3A_873, %swap3A_874] {strides = array<i32>} : memref<32x128xf32, #tpu.memory_space<vmem>>, vector<1x16xf32>,
      %swap3A_876 = vector.shape_cast %swap3A_875 : vector<1x16xf32> to vector<16xf32>
      %swap3A_877 = vector.shape_cast %broadcast_in_dim3A_872 : vector<16xf32> to vector<1x16xf32>
      tpu.vector_store %arg11[%swap3A_873, %swap3A_874], %swap3A_877 {strides = array<i32>} : memref<32x128xf32, #tpu.memory_space<vmem>>, vector<1x16xf32>,
      %broadcast_in_dim3A_878 = arith.constant 0.000000e+00 : f32
      %broadcast_in_dim3A_879 = vector.broadcast %broadcast_in_dim3A_878 : f32 to vector<16xf32>
      %swap3A_880 = arith.index_cast %add3A_850 : i32 to index
      %swap3A_881 = arith.constant 64 : index
      %swap3A_882 = tpu.vector_load %arg11[%swap3A_880, %swap3A_881] {strides = array<i32>} : memref<32x128xf32, #tpu.memory_space<vmem>>, vector<1x16xf32>,
      %swap3A_883 = vector.shape_cast %swap3A_882 : vector<1x16xf32> to vector<16xf32>
      %swap3A_884 = vector.shape_cast %broadcast_in_dim3A_879 : vector<16xf32> to vector<1x16xf32>
      tpu.vector_store %arg11[%swap3A_880, %swap3A_881], %swap3A_884 {strides = array<i32>} : memref<32x128xf32, #tpu.memory_space<vmem>>, vector<1x16xf32>,
      %broadcast_in_dim3A_885 = arith.constant 0.000000e+00 : f32
      %broadcast_in_dim3A_886 = vector.broadcast %broadcast_in_dim3A_885 : f32 to vector<16xf32>
      %swap3A_887 = arith.index_cast %add3A_850 : i32 to index
      %swap3A_888 = arith.constant 80 : index
      %swap3A_889 = tpu.vector_load %arg11[%swap3A_887, %swap3A_888] {strides = array<i32>} : memref<32x128xf32, #tpu.memory_space<vmem>>, vector<1x16xf32>,
      %swap3A_890 = vector.shape_cast %swap3A_889 : vector<1x16xf32> to vector<16xf32>
      %swap3A_891 = vector.shape_cast %broadcast_in_dim3A_886 : vector<16xf32> to vector<1x16xf32>
      tpu.vector_store %arg11[%swap3A_887, %swap3A_888], %swap3A_891 {strides = array<i32>} : memref<32x128xf32, #tpu.memory_space<vmem>>, vector<1x16xf32>,
      %broadcast_in_dim3A_892 = arith.constant 0.000000e+00 : f32
      %broadcast_in_dim3A_893 = vector.broadcast %broadcast_in_dim3A_892 : f32 to vector<16xf32>
      %swap3A_894 = arith.index_cast %add3A_850 : i32 to index
      %swap3A_895 = arith.constant 96 : index
      %swap3A_896 = tpu.vector_load %arg11[%swap3A_894, %swap3A_895] {strides = array<i32>} : memref<32x128xf32, #tpu.memory_space<vmem>>, vector<1x16xf32>,
      %swap3A_897 = vector.shape_cast %swap3A_896 : vector<1x16xf32> to vector<16xf32>
      %swap3A_898 = vector.shape_cast %broadcast_in_dim3A_893 : vector<16xf32> to vector<1x16xf32>
      tpu.vector_store %arg11[%swap3A_894, %swap3A_895], %swap3A_898 {strides = array<i32>} : memref<32x128xf32, #tpu.memory_space<vmem>>, vector<1x16xf32>,
      %broadcast_in_dim3A_899 = arith.constant 0.000000e+00 : f32
      %broadcast_in_dim3A_900 = vector.broadcast %broadcast_in_dim3A_899 : f32 to vector<16xf32>
      %swap3A_901 = arith.index_cast %add3A_850 : i32 to index
      %swap3A_902 = arith.constant 112 : index
      %swap3A_903 = tpu.vector_load %arg11[%swap3A_901, %swap3A_902] {strides = array<i32>} : memref<32x128xf32, #tpu.memory_space<vmem>>, vector<1x16xf32>,
      %swap3A_904 = vector.shape_cast %swap3A_903 : vector<1x16xf32> to vector<16xf32>
      %swap3A_905 = vector.shape_cast %broadcast_in_dim3A_900 : vector<16xf32> to vector<1x16xf32>
      tpu.vector_store %arg11[%swap3A_901, %swap3A_902], %swap3A_905 {strides = array<i32>} : memref<32x128xf32, #tpu.memory_space<vmem>>, vector<1x16xf32>,
    }
    %scan3A_140 = arith.constant 32 : i32
    "tpu.region"() ({
      %run_scoped3A = tpu.sem_alloc : memref<!tpu.dma_semaphore, #tpu.memory_space<semaphore_mem>>
      %dma_start3A_846 = arith.constant 0 : i32
      %dma_start3A_847 = tpu.memref_slice %arg12[%mul3A_4, %dma_start3A_846] : memref<512x128xf32, #tpu.memory_space<vmem_shared>> -> memref<32x128xf32, #tpu.memory_space<vmem_shared>>
      %dma_start3A_848 = arith.constant 0 : i32
      %dma_start3A_849 = tpu.memref_slice %arg12[%mul3A_4, %dma_start3A_848] : memref<512x128xf32, #tpu.memory_space<vmem_shared>> -> memref<32x128xf32, #tpu.memory_space<vmem_shared>>
      tpu.enqueue_dma source(%arg11 : memref<32x128xf32, #tpu.memory_space<vmem>>) target(%dma_start3A_849 : memref<32x128xf32, #tpu.memory_space<vmem_shared>>) target_semaphore(%run_scoped3A : memref<!tpu.dma_semaphore, #tpu.memory_space<semaphore_mem>>)
      %dma_wait3A_850 = arith.constant 0 : i32
      %dma_wait3A_851 = tpu.memref_slice %arg12[%mul3A_4, %dma_wait3A_850] : memref<512x128xf32, #tpu.memory_space<vmem_shared>> -> memref<32x128xf32, #tpu.memory_space<vmem_shared>>
      %dma_wait3A_852 = arith.constant 0 : i32
      %dma_wait3A_853 = tpu.memref_slice %arg12[%mul3A_4, %dma_wait3A_852] : memref<512x128xf32, #tpu.memory_space<vmem_shared>> -> memref<32x128xf32, #tpu.memory_space<vmem_shared>>
      tpu.wait_dma2 semaphore(%run_scoped3A : memref<!tpu.dma_semaphore, #tpu.memory_space<semaphore_mem>>) src(%arg11 : memref<32x128xf32, #tpu.memory_space<vmem>>) dst(%dma_wait3A_853 : memref<32x128xf32, #tpu.memory_space<vmem_shared>>)
      tpu.yield
    }) : () -> ()
    %dma_wait3A = arith.constant 0 : i32
    %dma_wait3A_141 = arith.constant 0 : i32
    %dma_wait3A_142 = tpu.memref_slice %arg9[%dma_wait3A, %dma_wait3A_141] : memref<512x128xf32, #tpu.memory_space<vmem>> -> memref<32x128xf32, #tpu.memory_space<vmem>>
    %dma_wait3A_143 = arith.constant 0 : i32
    %dma_wait3A_144 = tpu.memref_slice %arg7[%dma_wait3A_143] : memref<512xi32, #tpu.memory_space<vmem>> -> memref<32xi32, #tpu.memory_space<vmem>>
    %dma_wait3A_145 = arith.constant 0 : i32
    %dma_wait3A_146 = arith.constant 0 : i32
    %dma_wait3A_147 = tpu.memref_slice %arg2[%dma_wait3A_145, %dma_wait3A_146] : memref<100000x128xf32, #tpu.memory_space<hbm>> -> memref<100000x128xf32, #tpu.memory_space<hbm>>
    tpu.wait_indirect_dma semaphore(%arg13 : memref<!tpu.dma_semaphore, #tpu.memory_space<semaphore_mem>>) src(%dma_wait3A_147 : memref<100000x128xf32, #tpu.memory_space<hbm>>) dst(%dma_wait3A_142 : memref<32x128xf32, #tpu.memory_space<vmem>>)
    %add3A_148 = arith.constant 0 : i32
    %add3A_149 = arith.addi %mul3A_4, %add3A_148 : i32
    %broadcast_in_dim3A = arith.constant 0 : i32
    %broadcast_in_dim3A_150 = vector.broadcast %broadcast_in_dim3A : i32 to vector<16xi32>
    %add3A_151 = vector.broadcast %add3A_149 : i32 to vector<16xi32>
    %add3A_152 = arith.addi %add3A_151, %broadcast_in_dim3A_150 : vector<16xi32>
    %dma_start3A_153 = arith.constant 0 : i32
    %dma_start3A_154 = arith.constant 0 : i32
    %dma_start3A_155 = tpu.memref_slice %arg9[%dma_start3A_153, %dma_start3A_154] : memref<512x128xf32, #tpu.memory_space<vmem>> -> memref<16x128xf32, #tpu.memory_space<vmem>>
    %dma_start3A_156 = arith.constant 0 : i32
    %dma_start3A_157 = arith.constant 0 : i32
    %dma_start3A_158 = tpu.memref_slice %arg12[%dma_start3A_156, %dma_start3A_157] : memref<512x128xf32, #tpu.memory_space<vmem_shared>> -> memref<512x128xf32, #tpu.memory_space<vmem_shared>>
    tpu.enqueue_indirect_dma source(%dma_start3A_155 : memref<16x128xf32, #tpu.memory_space<vmem>>) target(%dma_start3A_158 : memref<512x128xf32, #tpu.memory_space<vmem_shared>>) offsets(%add3A_152 : vector<16xi32>) semaphore(%arg30 : memref<!tpu.dma_semaphore, #tpu.memory_space<semaphore_mem>>) {add = true}
    %add3A_159 = arith.constant 1 : i32
    %add3A_160 = arith.addi %mul3A_4, %add3A_159 : i32
    %broadcast_in_dim3A_161 = arith.constant 0 : i32
    %broadcast_in_dim3A_162 = vector.broadcast %broadcast_in_dim3A_161 : i32 to vector<16xi32>
    %add3A_163 = vector.broadcast %add3A_160 : i32 to vector<16xi32>
    %add3A_164 = arith.addi %add3A_163, %broadcast_in_dim3A_162 : vector<16xi32>
    %dma_start3A_165 = arith.constant 16 : i32
    %dma_start3A_166 = arith.constant 0 : i32
    %dma_start3A_167 = tpu.memref_slice %arg9[%dma_start3A_165, %dma_start3A_166] : memref<512x128xf32, #tpu.memory_space<vmem>> -> memref<16x128xf32, #tpu.memory_space<vmem>>
    %dma_start3A_168 = arith.constant 0 : i32
    %dma_start3A_169 = arith.constant 0 : i32
    %dma_start3A_170 = tpu.memref_slice %arg12[%dma_start3A_168, %dma_start3A_169] : memref<512x128xf32, #tpu.memory_space<vmem_shared>> -> memref<512x128xf32, #tpu.memory_space<vmem_shared>>
    tpu.enqueue_indirect_dma source(%dma_start3A_167 : memref<16x128xf32, #tpu.memory_space<vmem>>) target(%dma_start3A_170 : memref<512x128xf32, #tpu.memory_space<vmem_shared>>) offsets(%add3A_164 : vector<16xi32>) semaphore(%arg30 : memref<!tpu.dma_semaphore, #tpu.memory_space<semaphore_mem>>) {add = true}
    %dma_wait3A_171 = arith.constant 32 : i32
    %dma_wait3A_172 = arith.constant 0 : i32
    %dma_wait3A_173 = tpu.memref_slice %arg9[%dma_wait3A_171, %dma_wait3A_172] : memref<512x128xf32, #tpu.memory_space<vmem>> -> memref<32x128xf32, #tpu.memory_space<vmem>>
    %dma_wait3A_174 = arith.constant 32 : i32
    %dma_wait3A_175 = tpu.memref_slice %arg7[%dma_wait3A_174] : memref<512xi32, #tpu.memory_space<vmem>> -> memref<32xi32, #tpu.memory_space<vmem>>
    %dma_wait3A_176 = arith.constant 0 : i32
    %dma_wait3A_177 = arith.constant 0 : i32
    %dma_wait3A_178 = tpu.memref_slice %arg2[%dma_wait3A_176, %dma_wait3A_177] : memref<100000x128xf32, #tpu.memory_space<hbm>> -> memref<100000x128xf32, #tpu.memory_space<hbm>>
    tpu.wait_indirect_dma semaphore(%arg14 : memref<!tpu.dma_semaphore, #tpu.memory_space<semaphore_mem>>) src(%dma_wait3A_178 : memref<100000x128xf32, #tpu.memory_space<hbm>>) dst(%dma_wait3A_173 : memref<32x128xf32, #tpu.memory_space<vmem>>)
    %add3A_179 = arith.constant 2 : i32
    %add3A_180 = arith.addi %mul3A_4, %add3A_179 : i32
    %broadcast_in_dim3A_181 = arith.constant 0 : i32
    %broadcast_in_dim3A_182 = vector.broadcast %broadcast_in_dim3A_181 : i32 to vector<16xi32>
    %add3A_183 = vector.broadcast %add3A_180 : i32 to vector<16xi32>
    %add3A_184 = arith.addi %add3A_183, %broadcast_in_dim3A_182 : vector<16xi32>
    %dma_start3A_185 = arith.constant 32 : i32
    %dma_start3A_186 = arith.constant 0 : i32
    %dma_start3A_187 = tpu.memref_slice %arg9[%dma_start3A_185, %dma_start3A_186] : memref<512x128xf32, #tpu.memory_space<vmem>> -> memref<16x128xf32, #tpu.memory_space<vmem>>
    %dma_start3A_188 = arith.constant 0 : i32
    %dma_start3A_189 = arith.constant 0 : i32
    %dma_start3A_190 = tpu.memref_slice %arg12[%dma_start3A_188, %dma_start3A_189] : memref<512x128xf32, #tpu.memory_space<vmem_shared>> -> memref<512x128xf32, #tpu.memory_space<vmem_shared>>
    tpu.enqueue_indirect_dma source(%dma_start3A_187 : memref<16x128xf32, #tpu.memory_space<vmem>>) target(%dma_start3A_190 : memref<512x128xf32, #tpu.memory_space<vmem_shared>>) offsets(%add3A_184 : vector<16xi32>) semaphore(%arg30 : memref<!tpu.dma_semaphore, #tpu.memory_space<semaphore_mem>>) {add = true}
    %add3A_191 = arith.constant 3 : i32
    %add3A_192 = arith.addi %mul3A_4, %add3A_191 : i32
    %broadcast_in_dim3A_193 = arith.constant 0 : i32
    %broadcast_in_dim3A_194 = vector.broadcast %broadcast_in_dim3A_193 : i32 to vector<16xi32>
    %add3A_195 = vector.broadcast %add3A_192 : i32 to vector<16xi32>
    %add3A_196 = arith.addi %add3A_195, %broadcast_in_dim3A_194 : vector<16xi32>
    %dma_start3A_197 = arith.constant 48 : i32
    %dma_start3A_198 = arith.constant 0 : i32
    %dma_start3A_199 = tpu.memref_slice %arg9[%dma_start3A_197, %dma_start3A_198] : memref<512x128xf32, #tpu.memory_space<vmem>> -> memref<16x128xf32, #tpu.memory_space<vmem>>
    %dma_start3A_200 = arith.constant 0 : i32
    %dma_start3A_201 = arith.constant 0 : i32
    %dma_start3A_202 = tpu.memref_slice %arg12[%dma_start3A_200, %dma_start3A_201] : memref<512x128xf32, #tpu.memory_space<vmem_shared>> -> memref<512x128xf32, #tpu.memory_space<vmem_shared>>
    tpu.enqueue_indirect_dma source(%dma_start3A_199 : memref<16x128xf32, #tpu.memory_space<vmem>>) target(%dma_start3A_202 : memref<512x128xf32, #tpu.memory_space<vmem_shared>>) offsets(%add3A_196 : vector<16xi32>) semaphore(%arg30 : memref<!tpu.dma_semaphore, #tpu.memory_space<semaphore_mem>>) {add = true}
    %dma_wait3A_203 = arith.constant 64 : i32
    %dma_wait3A_204 = arith.constant 0 : i32
    %dma_wait3A_205 = tpu.memref_slice %arg9[%dma_wait3A_203, %dma_wait3A_204] : memref<512x128xf32, #tpu.memory_space<vmem>> -> memref<32x128xf32, #tpu.memory_space<vmem>>
    %dma_wait3A_206 = arith.constant 64 : i32
    %dma_wait3A_207 = tpu.memref_slice %arg7[%dma_wait3A_206] : memref<512xi32, #tpu.memory_space<vmem>> -> memref<32xi32, #tpu.memory_space<vmem>>
    %dma_wait3A_208 = arith.constant 0 : i32
    %dma_wait3A_209 = arith.constant 0 : i32
    %dma_wait3A_210 = tpu.memref_slice %arg2[%dma_wait3A_208, %dma_wait3A_209] : memref<100000x128xf32, #tpu.memory_space<hbm>> -> memref<100000x128xf32, #tpu.memory_space<hbm>>
    tpu.wait_indirect_dma semaphore(%arg15 : memref<!tpu.dma_semaphore, #tpu.memory_space<semaphore_mem>>) src(%dma_wait3A_210 : memref<100000x128xf32, #tpu.memory_space<hbm>>) dst(%dma_wait3A_205 : memref<32x128xf32, #tpu.memory_space<vmem>>)
    %add3A_211 = arith.constant 4 : i32
    %add3A_212 = arith.addi %mul3A_4, %add3A_211 : i32
    %broadcast_in_dim3A_213 = arith.constant 0 : i32
    %broadcast_in_dim3A_214 = vector.broadcast %broadcast_in_dim3A_213 : i32 to vector<16xi32>
    %add3A_215 = vector.broadcast %add3A_212 : i32 to vector<16xi32>
    %add3A_216 = arith.addi %add3A_215, %broadcast_in_dim3A_214 : vector<16xi32>
    %dma_start3A_217 = arith.constant 64 : i32
    %dma_start3A_218 = arith.constant 0 : i32
    %dma_start3A_219 = tpu.memref_slice %arg9[%dma_start3A_217, %dma_start3A_218] : memref<512x128xf32, #tpu.memory_space<vmem>> -> memref<16x128xf32, #tpu.memory_space<vmem>>
    %dma_start3A_220 = arith.constant 0 : i32
    %dma_start3A_221 = arith.constant 0 : i32
    %dma_start3A_222 = tpu.memref_slice %arg12[%dma_start3A_220, %dma_start3A_221] : memref<512x128xf32, #tpu.memory_space<vmem_shared>> -> memref<512x128xf32, #tpu.memory_space<vmem_shared>>
    tpu.enqueue_indirect_dma source(%dma_start3A_219 : memref<16x128xf32, #tpu.memory_space<vmem>>) target(%dma_start3A_222 : memref<512x128xf32, #tpu.memory_space<vmem_shared>>) offsets(%add3A_216 : vector<16xi32>) semaphore(%arg30 : memref<!tpu.dma_semaphore, #tpu.memory_space<semaphore_mem>>) {add = true}
    %add3A_223 = arith.constant 5 : i32
    %add3A_224 = arith.addi %mul3A_4, %add3A_223 : i32
    %broadcast_in_dim3A_225 = arith.constant 0 : i32
    %broadcast_in_dim3A_226 = vector.broadcast %broadcast_in_dim3A_225 : i32 to vector<16xi32>
    %add3A_227 = vector.broadcast %add3A_224 : i32 to vector<16xi32>
    %add3A_228 = arith.addi %add3A_227, %broadcast_in_dim3A_226 : vector<16xi32>
    %dma_start3A_229 = arith.constant 80 : i32
    %dma_start3A_230 = arith.constant 0 : i32
    %dma_start3A_231 = tpu.memref_slice %arg9[%dma_start3A_229, %dma_start3A_230] : memref<512x128xf32, #tpu.memory_space<vmem>> -> memref<16x128xf32, #tpu.memory_space<vmem>>
    %dma_start3A_232 = arith.constant 0 : i32
    %dma_start3A_233 = arith.constant 0 : i32
    %dma_start3A_234 = tpu.memref_slice %arg12[%dma_start3A_232, %dma_start3A_233] : memref<512x128xf32, #tpu.memory_space<vmem_shared>> -> memref<512x128xf32, #tpu.memory_space<vmem_shared>>
    tpu.enqueue_indirect_dma source(%dma_start3A_231 : memref<16x128xf32, #tpu.memory_space<vmem>>) target(%dma_start3A_234 : memref<512x128xf32, #tpu.memory_space<vmem_shared>>) offsets(%add3A_228 : vector<16xi32>) semaphore(%arg30 : memref<!tpu.dma_semaphore, #tpu.memory_space<semaphore_mem>>) {add = true}
    %dma_wait3A_235 = arith.constant 96 : i32
    %dma_wait3A_236 = arith.constant 0 : i32
    %dma_wait3A_237 = tpu.memref_slice %arg9[%dma_wait3A_235, %dma_wait3A_236] : memref<512x128xf32, #tpu.memory_space<vmem>> -> memref<32x128xf32, #tpu.memory_space<vmem>>
    %dma_wait3A_238 = arith.constant 96 : i32
    %dma_wait3A_239 = tpu.memref_slice %arg7[%dma_wait3A_238] : memref<512xi32, #tpu.memory_space<vmem>> -> memref<32xi32, #tpu.memory_space<vmem>>
    %dma_wait3A_240 = arith.constant 0 : i32
    %dma_wait3A_241 = arith.constant 0 : i32
    %dma_wait3A_242 = tpu.memref_slice %arg2[%dma_wait3A_240, %dma_wait3A_241] : memref<100000x128xf32, #tpu.memory_space<hbm>> -> memref<100000x128xf32, #tpu.memory_space<hbm>>
    tpu.wait_indirect_dma semaphore(%arg16 : memref<!tpu.dma_semaphore, #tpu.memory_space<semaphore_mem>>) src(%dma_wait3A_242 : memref<100000x128xf32, #tpu.memory_space<hbm>>) dst(%dma_wait3A_237 : memref<32x128xf32, #tpu.memory_space<vmem>>)
    %add3A_243 = arith.constant 6 : i32
    %add3A_244 = arith.addi %mul3A_4, %add3A_243 : i32
    %broadcast_in_dim3A_245 = arith.constant 0 : i32
    %broadcast_in_dim3A_246 = vector.broadcast %broadcast_in_dim3A_245 : i32 to vector<16xi32>
    %add3A_247 = vector.broadcast %add3A_244 : i32 to vector<16xi32>
    %add3A_248 = arith.addi %add3A_247, %broadcast_in_dim3A_246 : vector<16xi32>
    %dma_start3A_249 = arith.constant 96 : i32
    %dma_start3A_250 = arith.constant 0 : i32
    %dma_start3A_251 = tpu.memref_slice %arg9[%dma_start3A_249, %dma_start3A_250] : memref<512x128xf32, #tpu.memory_space<vmem>> -> memref<16x128xf32, #tpu.memory_space<vmem>>
    %dma_start3A_252 = arith.constant 0 : i32
    %dma_start3A_253 = arith.constant 0 : i32
    %dma_start3A_254 = tpu.memref_slice %arg12[%dma_start3A_252, %dma_start3A_253] : memref<512x128xf32, #tpu.memory_space<vmem_shared>> -> memref<512x128xf32, #tpu.memory_space<vmem_shared>>
    tpu.enqueue_indirect_dma source(%dma_start3A_251 : memref<16x128xf32, #tpu.memory_space<vmem>>) target(%dma_start3A_254 : memref<512x128xf32, #tpu.memory_space<vmem_shared>>) offsets(%add3A_248 : vector<16xi32>) semaphore(%arg30 : memref<!tpu.dma_semaphore, #tpu.memory_space<semaphore_mem>>) {add = true}
    %add3A_255 = arith.constant 7 : i32
    %add3A_256 = arith.addi %mul3A_4, %add3A_255 : i32
    %broadcast_in_dim3A_257 = arith.constant 0 : i32
    %broadcast_in_dim3A_258 = vector.broadcast %broadcast_in_dim3A_257 : i32 to vector<16xi32>
    %add3A_259 = vector.broadcast %add3A_256 : i32 to vector<16xi32>
    %add3A_260 = arith.addi %add3A_259, %broadcast_in_dim3A_258 : vector<16xi32>
    %dma_start3A_261 = arith.constant 112 : i32
    %dma_start3A_262 = arith.constant 0 : i32
    %dma_start3A_263 = tpu.memref_slice %arg9[%dma_start3A_261, %dma_start3A_262] : memref<512x128xf32, #tpu.memory_space<vmem>> -> memref<16x128xf32, #tpu.memory_space<vmem>>
    %dma_start3A_264 = arith.constant 0 : i32
    %dma_start3A_265 = arith.constant 0 : i32
    %dma_start3A_266 = tpu.memref_slice %arg12[%dma_start3A_264, %dma_start3A_265] : memref<512x128xf32, #tpu.memory_space<vmem_shared>> -> memref<512x128xf32, #tpu.memory_space<vmem_shared>>
    tpu.enqueue_indirect_dma source(%dma_start3A_263 : memref<16x128xf32, #tpu.memory_space<vmem>>) target(%dma_start3A_266 : memref<512x128xf32, #tpu.memory_space<vmem_shared>>) offsets(%add3A_260 : vector<16xi32>) semaphore(%arg30 : memref<!tpu.dma_semaphore, #tpu.memory_space<semaphore_mem>>) {add = true}
    %dma_wait3A_267 = arith.constant 128 : i32
    %dma_wait3A_268 = arith.constant 0 : i32
    %dma_wait3A_269 = tpu.memref_slice %arg9[%dma_wait3A_267, %dma_wait3A_268] : memref<512x128xf32, #tpu.memory_space<vmem>> -> memref<32x128xf32, #tpu.memory_space<vmem>>
    %dma_wait3A_270 = arith.constant 128 : i32
    %dma_wait3A_271 = tpu.memref_slice %arg7[%dma_wait3A_270] : memref<512xi32, #tpu.memory_space<vmem>> -> memref<32xi32, #tpu.memory_space<vmem>>
    %dma_wait3A_272 = arith.constant 0 : i32
    %dma_wait3A_273 = arith.constant 0 : i32
    %dma_wait3A_274 = tpu.memref_slice %arg2[%dma_wait3A_272, %dma_wait3A_273] : memref<100000x128xf32, #tpu.memory_space<hbm>> -> memref<100000x128xf32, #tpu.memory_space<hbm>>
    tpu.wait_indirect_dma semaphore(%arg17 : memref<!tpu.dma_semaphore, #tpu.memory_space<semaphore_mem>>) src(%dma_wait3A_274 : memref<100000x128xf32, #tpu.memory_space<hbm>>) dst(%dma_wait3A_269 : memref<32x128xf32, #tpu.memory_space<vmem>>)
    %add3A_275 = arith.constant 8 : i32
    %add3A_276 = arith.addi %mul3A_4, %add3A_275 : i32
    %broadcast_in_dim3A_277 = arith.constant 0 : i32
    %broadcast_in_dim3A_278 = vector.broadcast %broadcast_in_dim3A_277 : i32 to vector<16xi32>
    %add3A_279 = vector.broadcast %add3A_276 : i32 to vector<16xi32>
    %add3A_280 = arith.addi %add3A_279, %broadcast_in_dim3A_278 : vector<16xi32>
    %dma_start3A_281 = arith.constant 128 : i32
    %dma_start3A_282 = arith.constant 0 : i32
    %dma_start3A_283 = tpu.memref_slice %arg9[%dma_start3A_281, %dma_start3A_282] : memref<512x128xf32, #tpu.memory_space<vmem>> -> memref<16x128xf32, #tpu.memory_space<vmem>>
    %dma_start3A_284 = arith.constant 0 : i32
    %dma_start3A_285 = arith.constant 0 : i32
    %dma_start3A_286 = tpu.memref_slice %arg12[%dma_start3A_284, %dma_start3A_285] : memref<512x128xf32, #tpu.memory_space<vmem_shared>> -> memref<512x128xf32, #tpu.memory_space<vmem_shared>>
    tpu.enqueue_indirect_dma source(%dma_start3A_283 : memref<16x128xf32, #tpu.memory_space<vmem>>) target(%dma_start3A_286 : memref<512x128xf32, #tpu.memory_space<vmem_shared>>) offsets(%add3A_280 : vector<16xi32>) semaphore(%arg30 : memref<!tpu.dma_semaphore, #tpu.memory_space<semaphore_mem>>) {add = true}
    %add3A_287 = arith.constant 9 : i32
    %add3A_288 = arith.addi %mul3A_4, %add3A_287 : i32
    %broadcast_in_dim3A_289 = arith.constant 0 : i32
    %broadcast_in_dim3A_290 = vector.broadcast %broadcast_in_dim3A_289 : i32 to vector<16xi32>
    %add3A_291 = vector.broadcast %add3A_288 : i32 to vector<16xi32>
    %add3A_292 = arith.addi %add3A_291, %broadcast_in_dim3A_290 : vector<16xi32>
    %dma_start3A_293 = arith.constant 144 : i32
    %dma_start3A_294 = arith.constant 0 : i32
    %dma_start3A_295 = tpu.memref_slice %arg9[%dma_start3A_293, %dma_start3A_294] : memref<512x128xf32, #tpu.memory_space<vmem>> -> memref<16x128xf32, #tpu.memory_space<vmem>>
    %dma_start3A_296 = arith.constant 0 : i32
    %dma_start3A_297 = arith.constant 0 : i32
    %dma_start3A_298 = tpu.memref_slice %arg12[%dma_start3A_296, %dma_start3A_297] : memref<512x128xf32, #tpu.memory_space<vmem_shared>> -> memref<512x128xf32, #tpu.memory_space<vmem_shared>>
    tpu.enqueue_indirect_dma source(%dma_start3A_295 : memref<16x128xf32, #tpu.memory_space<vmem>>) target(%dma_start3A_298 : memref<512x128xf32, #tpu.memory_space<vmem_shared>>) offsets(%add3A_292 : vector<16xi32>) semaphore(%arg30 : memref<!tpu.dma_semaphore, #tpu.memory_space<semaphore_mem>>) {add = true}
    %dma_wait3A_299 = arith.constant 160 : i32
    %dma_wait3A_300 = arith.constant 0 : i32
    %dma_wait3A_301 = tpu.memref_slice %arg9[%dma_wait3A_299, %dma_wait3A_300] : memref<512x128xf32, #tpu.memory_space<vmem>> -> memref<32x128xf32, #tpu.memory_space<vmem>>
    %dma_wait3A_302 = arith.constant 160 : i32
    %dma_wait3A_303 = tpu.memref_slice %arg7[%dma_wait3A_302] : memref<512xi32, #tpu.memory_space<vmem>> -> memref<32xi32, #tpu.memory_space<vmem>>
    %dma_wait3A_304 = arith.constant 0 : i32
    %dma_wait3A_305 = arith.constant 0 : i32
    %dma_wait3A_306 = tpu.memref_slice %arg2[%dma_wait3A_304, %dma_wait3A_305] : memref<100000x128xf32, #tpu.memory_space<hbm>> -> memref<100000x128xf32, #tpu.memory_space<hbm>>
    tpu.wait_indirect_dma semaphore(%arg18 : memref<!tpu.dma_semaphore, #tpu.memory_space<semaphore_mem>>) src(%dma_wait3A_306 : memref<100000x128xf32, #tpu.memory_space<hbm>>) dst(%dma_wait3A_301 : memref<32x128xf32, #tpu.memory_space<vmem>>)
    %add3A_307 = arith.constant 10 : i32
    %add3A_308 = arith.addi %mul3A_4, %add3A_307 : i32
    %broadcast_in_dim3A_309 = arith.constant 0 : i32
    %broadcast_in_dim3A_310 = vector.broadcast %broadcast_in_dim3A_309 : i32 to vector<16xi32>
    %add3A_311 = vector.broadcast %add3A_308 : i32 to vector<16xi32>
    %add3A_312 = arith.addi %add3A_311, %broadcast_in_dim3A_310 : vector<16xi32>
    %dma_start3A_313 = arith.constant 160 : i32
    %dma_start3A_314 = arith.constant 0 : i32
    %dma_start3A_315 = tpu.memref_slice %arg9[%dma_start3A_313, %dma_start3A_314] : memref<512x128xf32, #tpu.memory_space<vmem>> -> memref<16x128xf32, #tpu.memory_space<vmem>>
    %dma_start3A_316 = arith.constant 0 : i32
    %dma_start3A_317 = arith.constant 0 : i32
    %dma_start3A_318 = tpu.memref_slice %arg12[%dma_start3A_316, %dma_start3A_317] : memref<512x128xf32, #tpu.memory_space<vmem_shared>> -> memref<512x128xf32, #tpu.memory_space<vmem_shared>>
    tpu.enqueue_indirect_dma source(%dma_start3A_315 : memref<16x128xf32, #tpu.memory_space<vmem>>) target(%dma_start3A_318 : memref<512x128xf32, #tpu.memory_space<vmem_shared>>) offsets(%add3A_312 : vector<16xi32>) semaphore(%arg30 : memref<!tpu.dma_semaphore, #tpu.memory_space<semaphore_mem>>) {add = true}
    %add3A_319 = arith.constant 11 : i32
    %add3A_320 = arith.addi %mul3A_4, %add3A_319 : i32
    %broadcast_in_dim3A_321 = arith.constant 0 : i32
    %broadcast_in_dim3A_322 = vector.broadcast %broadcast_in_dim3A_321 : i32 to vector<16xi32>
    %add3A_323 = vector.broadcast %add3A_320 : i32 to vector<16xi32>
    %add3A_324 = arith.addi %add3A_323, %broadcast_in_dim3A_322 : vector<16xi32>
    %dma_start3A_325 = arith.constant 176 : i32
    %dma_start3A_326 = arith.constant 0 : i32
    %dma_start3A_327 = tpu.memref_slice %arg9[%dma_start3A_325, %dma_start3A_326] : memref<512x128xf32, #tpu.memory_space<vmem>> -> memref<16x128xf32, #tpu.memory_space<vmem>>
    %dma_start3A_328 = arith.constant 0 : i32
    %dma_start3A_329 = arith.constant 0 : i32
    %dma_start3A_330 = tpu.memref_slice %arg12[%dma_start3A_328, %dma_start3A_329] : memref<512x128xf32, #tpu.memory_space<vmem_shared>> -> memref<512x128xf32, #tpu.memory_space<vmem_shared>>
    tpu.enqueue_indirect_dma source(%dma_start3A_327 : memref<16x128xf32, #tpu.memory_space<vmem>>) target(%dma_start3A_330 : memref<512x128xf32, #tpu.memory_space<vmem_shared>>) offsets(%add3A_324 : vector<16xi32>) semaphore(%arg30 : memref<!tpu.dma_semaphore, #tpu.memory_space<semaphore_mem>>) {add = true}
    %dma_wait3A_331 = arith.constant 192 : i32
    %dma_wait3A_332 = arith.constant 0 : i32
    %dma_wait3A_333 = tpu.memref_slice %arg9[%dma_wait3A_331, %dma_wait3A_332] : memref<512x128xf32, #tpu.memory_space<vmem>> -> memref<32x128xf32, #tpu.memory_space<vmem>>
    %dma_wait3A_334 = arith.constant 192 : i32
    %dma_wait3A_335 = tpu.memref_slice %arg7[%dma_wait3A_334] : memref<512xi32, #tpu.memory_space<vmem>> -> memref<32xi32, #tpu.memory_space<vmem>>
    %dma_wait3A_336 = arith.constant 0 : i32
    %dma_wait3A_337 = arith.constant 0 : i32
    %dma_wait3A_338 = tpu.memref_slice %arg2[%dma_wait3A_336, %dma_wait3A_337] : memref<100000x128xf32, #tpu.memory_space<hbm>> -> memref<100000x128xf32, #tpu.memory_space<hbm>>
    tpu.wait_indirect_dma semaphore(%arg19 : memref<!tpu.dma_semaphore, #tpu.memory_space<semaphore_mem>>) src(%dma_wait3A_338 : memref<100000x128xf32, #tpu.memory_space<hbm>>) dst(%dma_wait3A_333 : memref<32x128xf32, #tpu.memory_space<vmem>>)
    %add3A_339 = arith.constant 12 : i32
    %add3A_340 = arith.addi %mul3A_4, %add3A_339 : i32
    %broadcast_in_dim3A_341 = arith.constant 0 : i32
    %broadcast_in_dim3A_342 = vector.broadcast %broadcast_in_dim3A_341 : i32 to vector<16xi32>
    %add3A_343 = vector.broadcast %add3A_340 : i32 to vector<16xi32>
    %add3A_344 = arith.addi %add3A_343, %broadcast_in_dim3A_342 : vector<16xi32>
    %dma_start3A_345 = arith.constant 192 : i32
    %dma_start3A_346 = arith.constant 0 : i32
    %dma_start3A_347 = tpu.memref_slice %arg9[%dma_start3A_345, %dma_start3A_346] : memref<512x128xf32, #tpu.memory_space<vmem>> -> memref<16x128xf32, #tpu.memory_space<vmem>>
    %dma_start3A_348 = arith.constant 0 : i32
    %dma_start3A_349 = arith.constant 0 : i32
    %dma_start3A_350 = tpu.memref_slice %arg12[%dma_start3A_348, %dma_start3A_349] : memref<512x128xf32, #tpu.memory_space<vmem_shared>> -> memref<512x128xf32, #tpu.memory_space<vmem_shared>>
    tpu.enqueue_indirect_dma source(%dma_start3A_347 : memref<16x128xf32, #tpu.memory_space<vmem>>) target(%dma_start3A_350 : memref<512x128xf32, #tpu.memory_space<vmem_shared>>) offsets(%add3A_344 : vector<16xi32>) semaphore(%arg30 : memref<!tpu.dma_semaphore, #tpu.memory_space<semaphore_mem>>) {add = true}
    %add3A_351 = arith.constant 13 : i32
    %add3A_352 = arith.addi %mul3A_4, %add3A_351 : i32
    %broadcast_in_dim3A_353 = arith.constant 0 : i32
    %broadcast_in_dim3A_354 = vector.broadcast %broadcast_in_dim3A_353 : i32 to vector<16xi32>
    %add3A_355 = vector.broadcast %add3A_352 : i32 to vector<16xi32>
    %add3A_356 = arith.addi %add3A_355, %broadcast_in_dim3A_354 : vector<16xi32>
    %dma_start3A_357 = arith.constant 208 : i32
    %dma_start3A_358 = arith.constant 0 : i32
    %dma_start3A_359 = tpu.memref_slice %arg9[%dma_start3A_357, %dma_start3A_358] : memref<512x128xf32, #tpu.memory_space<vmem>> -> memref<16x128xf32, #tpu.memory_space<vmem>>
    %dma_start3A_360 = arith.constant 0 : i32
    %dma_start3A_361 = arith.constant 0 : i32
    %dma_start3A_362 = tpu.memref_slice %arg12[%dma_start3A_360, %dma_start3A_361] : memref<512x128xf32, #tpu.memory_space<vmem_shared>> -> memref<512x128xf32, #tpu.memory_space<vmem_shared>>
    tpu.enqueue_indirect_dma source(%dma_start3A_359 : memref<16x128xf32, #tpu.memory_space<vmem>>) target(%dma_start3A_362 : memref<512x128xf32, #tpu.memory_space<vmem_shared>>) offsets(%add3A_356 : vector<16xi32>) semaphore(%arg30 : memref<!tpu.dma_semaphore, #tpu.memory_space<semaphore_mem>>) {add = true}
    %dma_wait3A_363 = arith.constant 224 : i32
    %dma_wait3A_364 = arith.constant 0 : i32
    %dma_wait3A_365 = tpu.memref_slice %arg9[%dma_wait3A_363, %dma_wait3A_364] : memref<512x128xf32, #tpu.memory_space<vmem>> -> memref<32x128xf32, #tpu.memory_space<vmem>>
    %dma_wait3A_366 = arith.constant 224 : i32
    %dma_wait3A_367 = tpu.memref_slice %arg7[%dma_wait3A_366] : memref<512xi32, #tpu.memory_space<vmem>> -> memref<32xi32, #tpu.memory_space<vmem>>
    %dma_wait3A_368 = arith.constant 0 : i32
    %dma_wait3A_369 = arith.constant 0 : i32
    %dma_wait3A_370 = tpu.memref_slice %arg2[%dma_wait3A_368, %dma_wait3A_369] : memref<100000x128xf32, #tpu.memory_space<hbm>> -> memref<100000x128xf32, #tpu.memory_space<hbm>>
    tpu.wait_indirect_dma semaphore(%arg20 : memref<!tpu.dma_semaphore, #tpu.memory_space<semaphore_mem>>) src(%dma_wait3A_370 : memref<100000x128xf32, #tpu.memory_space<hbm>>) dst(%dma_wait3A_365 : memref<32x128xf32, #tpu.memory_space<vmem>>)
    %add3A_371 = arith.constant 14 : i32
    %add3A_372 = arith.addi %mul3A_4, %add3A_371 : i32
    %broadcast_in_dim3A_373 = arith.constant 0 : i32
    %broadcast_in_dim3A_374 = vector.broadcast %broadcast_in_dim3A_373 : i32 to vector<16xi32>
    %add3A_375 = vector.broadcast %add3A_372 : i32 to vector<16xi32>
    %add3A_376 = arith.addi %add3A_375, %broadcast_in_dim3A_374 : vector<16xi32>
    %dma_start3A_377 = arith.constant 224 : i32
    %dma_start3A_378 = arith.constant 0 : i32
    %dma_start3A_379 = tpu.memref_slice %arg9[%dma_start3A_377, %dma_start3A_378] : memref<512x128xf32, #tpu.memory_space<vmem>> -> memref<16x128xf32, #tpu.memory_space<vmem>>
    %dma_start3A_380 = arith.constant 0 : i32
    %dma_start3A_381 = arith.constant 0 : i32
    %dma_start3A_382 = tpu.memref_slice %arg12[%dma_start3A_380, %dma_start3A_381] : memref<512x128xf32, #tpu.memory_space<vmem_shared>> -> memref<512x128xf32, #tpu.memory_space<vmem_shared>>
    tpu.enqueue_indirect_dma source(%dma_start3A_379 : memref<16x128xf32, #tpu.memory_space<vmem>>) target(%dma_start3A_382 : memref<512x128xf32, #tpu.memory_space<vmem_shared>>) offsets(%add3A_376 : vector<16xi32>) semaphore(%arg30 : memref<!tpu.dma_semaphore, #tpu.memory_space<semaphore_mem>>) {add = true}
    %add3A_383 = arith.constant 15 : i32
    %add3A_384 = arith.addi %mul3A_4, %add3A_383 : i32
    %broadcast_in_dim3A_385 = arith.constant 0 : i32
    %broadcast_in_dim3A_386 = vector.broadcast %broadcast_in_dim3A_385 : i32 to vector<16xi32>
    %add3A_387 = vector.broadcast %add3A_384 : i32 to vector<16xi32>
    %add3A_388 = arith.addi %add3A_387, %broadcast_in_dim3A_386 : vector<16xi32>
    %dma_start3A_389 = arith.constant 240 : i32
    %dma_start3A_390 = arith.constant 0 : i32
    %dma_start3A_391 = tpu.memref_slice %arg9[%dma_start3A_389, %dma_start3A_390] : memref<512x128xf32, #tpu.memory_space<vmem>> -> memref<16x128xf32, #tpu.memory_space<vmem>>
    %dma_start3A_392 = arith.constant 0 : i32
    %dma_start3A_393 = arith.constant 0 : i32
    %dma_start3A_394 = tpu.memref_slice %arg12[%dma_start3A_392, %dma_start3A_393] : memref<512x128xf32, #tpu.memory_space<vmem_shared>> -> memref<512x128xf32, #tpu.memory_space<vmem_shared>>
    tpu.enqueue_indirect_dma source(%dma_start3A_391 : memref<16x128xf32, #tpu.memory_space<vmem>>) target(%dma_start3A_394 : memref<512x128xf32, #tpu.memory_space<vmem_shared>>) offsets(%add3A_388 : vector<16xi32>) semaphore(%arg30 : memref<!tpu.dma_semaphore, #tpu.memory_space<semaphore_mem>>) {add = true}
    %dma_wait3A_395 = arith.constant 256 : i32
    %dma_wait3A_396 = arith.constant 0 : i32
    %dma_wait3A_397 = tpu.memref_slice %arg9[%dma_wait3A_395, %dma_wait3A_396] : memref<512x128xf32, #tpu.memory_space<vmem>> -> memref<32x128xf32, #tpu.memory_space<vmem>>
    %dma_wait3A_398 = arith.constant 256 : i32
    %dma_wait3A_399 = tpu.memref_slice %arg7[%dma_wait3A_398] : memref<512xi32, #tpu.memory_space<vmem>> -> memref<32xi32, #tpu.memory_space<vmem>>
    %dma_wait3A_400 = arith.constant 0 : i32
    %dma_wait3A_401 = arith.constant 0 : i32
    %dma_wait3A_402 = tpu.memref_slice %arg2[%dma_wait3A_400, %dma_wait3A_401] : memref<100000x128xf32, #tpu.memory_space<hbm>> -> memref<100000x128xf32, #tpu.memory_space<hbm>>
    tpu.wait_indirect_dma semaphore(%arg21 : memref<!tpu.dma_semaphore, #tpu.memory_space<semaphore_mem>>) src(%dma_wait3A_402 : memref<100000x128xf32, #tpu.memory_space<hbm>>) dst(%dma_wait3A_397 : memref<32x128xf32, #tpu.memory_space<vmem>>)
    %add3A_403 = arith.constant 16 : i32
    %add3A_404 = arith.addi %mul3A_4, %add3A_403 : i32
    %broadcast_in_dim3A_405 = arith.constant 0 : i32
    %broadcast_in_dim3A_406 = vector.broadcast %broadcast_in_dim3A_405 : i32 to vector<16xi32>
    %add3A_407 = vector.broadcast %add3A_404 : i32 to vector<16xi32>
    %add3A_408 = arith.addi %add3A_407, %broadcast_in_dim3A_406 : vector<16xi32>
    %dma_start3A_409 = arith.constant 256 : i32
    %dma_start3A_410 = arith.constant 0 : i32
    %dma_start3A_411 = tpu.memref_slice %arg9[%dma_start3A_409, %dma_start3A_410] : memref<512x128xf32, #tpu.memory_space<vmem>> -> memref<16x128xf32, #tpu.memory_space<vmem>>
    %dma_start3A_412 = arith.constant 0 : i32
    %dma_start3A_413 = arith.constant 0 : i32
    %dma_start3A_414 = tpu.memref_slice %arg12[%dma_start3A_412, %dma_start3A_413] : memref<512x128xf32, #tpu.memory_space<vmem_shared>> -> memref<512x128xf32, #tpu.memory_space<vmem_shared>>
    tpu.enqueue_indirect_dma source(%dma_start3A_411 : memref<16x128xf32, #tpu.memory_space<vmem>>) target(%dma_start3A_414 : memref<512x128xf32, #tpu.memory_space<vmem_shared>>) offsets(%add3A_408 : vector<16xi32>) semaphore(%arg30 : memref<!tpu.dma_semaphore, #tpu.memory_space<semaphore_mem>>) {add = true}
    %add3A_415 = arith.constant 17 : i32
    %add3A_416 = arith.addi %mul3A_4, %add3A_415 : i32
    %broadcast_in_dim3A_417 = arith.constant 0 : i32
    %broadcast_in_dim3A_418 = vector.broadcast %broadcast_in_dim3A_417 : i32 to vector<16xi32>
    %add3A_419 = vector.broadcast %add3A_416 : i32 to vector<16xi32>
    %add3A_420 = arith.addi %add3A_419, %broadcast_in_dim3A_418 : vector<16xi32>
    %dma_start3A_421 = arith.constant 272 : i32
    %dma_start3A_422 = arith.constant 0 : i32
    %dma_start3A_423 = tpu.memref_slice %arg9[%dma_start3A_421, %dma_start3A_422] : memref<512x128xf32, #tpu.memory_space<vmem>> -> memref<16x128xf32, #tpu.memory_space<vmem>>
    %dma_start3A_424 = arith.constant 0 : i32
    %dma_start3A_425 = arith.constant 0 : i32
    %dma_start3A_426 = tpu.memref_slice %arg12[%dma_start3A_424, %dma_start3A_425] : memref<512x128xf32, #tpu.memory_space<vmem_shared>> -> memref<512x128xf32, #tpu.memory_space<vmem_shared>>
    tpu.enqueue_indirect_dma source(%dma_start3A_423 : memref<16x128xf32, #tpu.memory_space<vmem>>) target(%dma_start3A_426 : memref<512x128xf32, #tpu.memory_space<vmem_shared>>) offsets(%add3A_420 : vector<16xi32>) semaphore(%arg30 : memref<!tpu.dma_semaphore, #tpu.memory_space<semaphore_mem>>) {add = true}
    %dma_wait3A_427 = arith.constant 288 : i32
    %dma_wait3A_428 = arith.constant 0 : i32
    %dma_wait3A_429 = tpu.memref_slice %arg9[%dma_wait3A_427, %dma_wait3A_428] : memref<512x128xf32, #tpu.memory_space<vmem>> -> memref<32x128xf32, #tpu.memory_space<vmem>>
    %dma_wait3A_430 = arith.constant 288 : i32
    %dma_wait3A_431 = tpu.memref_slice %arg7[%dma_wait3A_430] : memref<512xi32, #tpu.memory_space<vmem>> -> memref<32xi32, #tpu.memory_space<vmem>>
    %dma_wait3A_432 = arith.constant 0 : i32
    %dma_wait3A_433 = arith.constant 0 : i32
    %dma_wait3A_434 = tpu.memref_slice %arg2[%dma_wait3A_432, %dma_wait3A_433] : memref<100000x128xf32, #tpu.memory_space<hbm>> -> memref<100000x128xf32, #tpu.memory_space<hbm>>
    tpu.wait_indirect_dma semaphore(%arg22 : memref<!tpu.dma_semaphore, #tpu.memory_space<semaphore_mem>>) src(%dma_wait3A_434 : memref<100000x128xf32, #tpu.memory_space<hbm>>) dst(%dma_wait3A_429 : memref<32x128xf32, #tpu.memory_space<vmem>>)
    %add3A_435 = arith.constant 18 : i32
    %add3A_436 = arith.addi %mul3A_4, %add3A_435 : i32
    %broadcast_in_dim3A_437 = arith.constant 0 : i32
    %broadcast_in_dim3A_438 = vector.broadcast %broadcast_in_dim3A_437 : i32 to vector<16xi32>
    %add3A_439 = vector.broadcast %add3A_436 : i32 to vector<16xi32>
    %add3A_440 = arith.addi %add3A_439, %broadcast_in_dim3A_438 : vector<16xi32>
    %dma_start3A_441 = arith.constant 288 : i32
    %dma_start3A_442 = arith.constant 0 : i32
    %dma_start3A_443 = tpu.memref_slice %arg9[%dma_start3A_441, %dma_start3A_442] : memref<512x128xf32, #tpu.memory_space<vmem>> -> memref<16x128xf32, #tpu.memory_space<vmem>>
    %dma_start3A_444 = arith.constant 0 : i32
    %dma_start3A_445 = arith.constant 0 : i32
    %dma_start3A_446 = tpu.memref_slice %arg12[%dma_start3A_444, %dma_start3A_445] : memref<512x128xf32, #tpu.memory_space<vmem_shared>> -> memref<512x128xf32, #tpu.memory_space<vmem_shared>>
    tpu.enqueue_indirect_dma source(%dma_start3A_443 : memref<16x128xf32, #tpu.memory_space<vmem>>) target(%dma_start3A_446 : memref<512x128xf32, #tpu.memory_space<vmem_shared>>) offsets(%add3A_440 : vector<16xi32>) semaphore(%arg30 : memref<!tpu.dma_semaphore, #tpu.memory_space<semaphore_mem>>) {add = true}
    %add3A_447 = arith.constant 19 : i32
    %add3A_448 = arith.addi %mul3A_4, %add3A_447 : i32
    %broadcast_in_dim3A_449 = arith.constant 0 : i32
    %broadcast_in_dim3A_450 = vector.broadcast %broadcast_in_dim3A_449 : i32 to vector<16xi32>
    %add3A_451 = vector.broadcast %add3A_448 : i32 to vector<16xi32>
    %add3A_452 = arith.addi %add3A_451, %broadcast_in_dim3A_450 : vector<16xi32>
    %dma_start3A_453 = arith.constant 304 : i32
    %dma_start3A_454 = arith.constant 0 : i32
    %dma_start3A_455 = tpu.memref_slice %arg9[%dma_start3A_453, %dma_start3A_454] : memref<512x128xf32, #tpu.memory_space<vmem>> -> memref<16x128xf32, #tpu.memory_space<vmem>>
    %dma_start3A_456 = arith.constant 0 : i32
    %dma_start3A_457 = arith.constant 0 : i32
    %dma_start3A_458 = tpu.memref_slice %arg12[%dma_start3A_456, %dma_start3A_457] : memref<512x128xf32, #tpu.memory_space<vmem_shared>> -> memref<512x128xf32, #tpu.memory_space<vmem_shared>>
    tpu.enqueue_indirect_dma source(%dma_start3A_455 : memref<16x128xf32, #tpu.memory_space<vmem>>) target(%dma_start3A_458 : memref<512x128xf32, #tpu.memory_space<vmem_shared>>) offsets(%add3A_452 : vector<16xi32>) semaphore(%arg30 : memref<!tpu.dma_semaphore, #tpu.memory_space<semaphore_mem>>) {add = true}
    %dma_wait3A_459 = arith.constant 320 : i32
    %dma_wait3A_460 = arith.constant 0 : i32
    %dma_wait3A_461 = tpu.memref_slice %arg9[%dma_wait3A_459, %dma_wait3A_460] : memref<512x128xf32, #tpu.memory_space<vmem>> -> memref<32x128xf32, #tpu.memory_space<vmem>>
    %dma_wait3A_462 = arith.constant 320 : i32
    %dma_wait3A_463 = tpu.memref_slice %arg7[%dma_wait3A_462] : memref<512xi32, #tpu.memory_space<vmem>> -> memref<32xi32, #tpu.memory_space<vmem>>
    %dma_wait3A_464 = arith.constant 0 : i32
    %dma_wait3A_465 = arith.constant 0 : i32
    %dma_wait3A_466 = tpu.memref_slice %arg2[%dma_wait3A_464, %dma_wait3A_465] : memref<100000x128xf32, #tpu.memory_space<hbm>> -> memref<100000x128xf32, #tpu.memory_space<hbm>>
    tpu.wait_indirect_dma semaphore(%arg23 : memref<!tpu.dma_semaphore, #tpu.memory_space<semaphore_mem>>) src(%dma_wait3A_466 : memref<100000x128xf32, #tpu.memory_space<hbm>>) dst(%dma_wait3A_461 : memref<32x128xf32, #tpu.memory_space<vmem>>)
    %add3A_467 = arith.constant 20 : i32
    %add3A_468 = arith.addi %mul3A_4, %add3A_467 : i32
    %broadcast_in_dim3A_469 = arith.constant 0 : i32
    %broadcast_in_dim3A_470 = vector.broadcast %broadcast_in_dim3A_469 : i32 to vector<16xi32>
    %add3A_471 = vector.broadcast %add3A_468 : i32 to vector<16xi32>
    %add3A_472 = arith.addi %add3A_471, %broadcast_in_dim3A_470 : vector<16xi32>
    %dma_start3A_473 = arith.constant 320 : i32
    %dma_start3A_474 = arith.constant 0 : i32
    %dma_start3A_475 = tpu.memref_slice %arg9[%dma_start3A_473, %dma_start3A_474] : memref<512x128xf32, #tpu.memory_space<vmem>> -> memref<16x128xf32, #tpu.memory_space<vmem>>
    %dma_start3A_476 = arith.constant 0 : i32
    %dma_start3A_477 = arith.constant 0 : i32
    %dma_start3A_478 = tpu.memref_slice %arg12[%dma_start3A_476, %dma_start3A_477] : memref<512x128xf32, #tpu.memory_space<vmem_shared>> -> memref<512x128xf32, #tpu.memory_space<vmem_shared>>
    tpu.enqueue_indirect_dma source(%dma_start3A_475 : memref<16x128xf32, #tpu.memory_space<vmem>>) target(%dma_start3A_478 : memref<512x128xf32, #tpu.memory_space<vmem_shared>>) offsets(%add3A_472 : vector<16xi32>) semaphore(%arg30 : memref<!tpu.dma_semaphore, #tpu.memory_space<semaphore_mem>>) {add = true}
    %add3A_479 = arith.constant 21 : i32
    %add3A_480 = arith.addi %mul3A_4, %add3A_479 : i32
    %broadcast_in_dim3A_481 = arith.constant 0 : i32
    %broadcast_in_dim3A_482 = vector.broadcast %broadcast_in_dim3A_481 : i32 to vector<16xi32>
    %add3A_483 = vector.broadcast %add3A_480 : i32 to vector<16xi32>
    %add3A_484 = arith.addi %add3A_483, %broadcast_in_dim3A_482 : vector<16xi32>
    %dma_start3A_485 = arith.constant 336 : i32
    %dma_start3A_486 = arith.constant 0 : i32
    %dma_start3A_487 = tpu.memref_slice %arg9[%dma_start3A_485, %dma_start3A_486] : memref<512x128xf32, #tpu.memory_space<vmem>> -> memref<16x128xf32, #tpu.memory_space<vmem>>
    %dma_start3A_488 = arith.constant 0 : i32
    %dma_start3A_489 = arith.constant 0 : i32
    %dma_start3A_490 = tpu.memref_slice %arg12[%dma_start3A_488, %dma_start3A_489] : memref<512x128xf32, #tpu.memory_space<vmem_shared>> -> memref<512x128xf32, #tpu.memory_space<vmem_shared>>
    tpu.enqueue_indirect_dma source(%dma_start3A_487 : memref<16x128xf32, #tpu.memory_space<vmem>>) target(%dma_start3A_490 : memref<512x128xf32, #tpu.memory_space<vmem_shared>>) offsets(%add3A_484 : vector<16xi32>) semaphore(%arg30 : memref<!tpu.dma_semaphore, #tpu.memory_space<semaphore_mem>>) {add = true}
    %dma_wait3A_491 = arith.constant 352 : i32
    %dma_wait3A_492 = arith.constant 0 : i32
    %dma_wait3A_493 = tpu.memref_slice %arg9[%dma_wait3A_491, %dma_wait3A_492] : memref<512x128xf32, #tpu.memory_space<vmem>> -> memref<32x128xf32, #tpu.memory_space<vmem>>
    %dma_wait3A_494 = arith.constant 352 : i32
    %dma_wait3A_495 = tpu.memref_slice %arg7[%dma_wait3A_494] : memref<512xi32, #tpu.memory_space<vmem>> -> memref<32xi32, #tpu.memory_space<vmem>>
    %dma_wait3A_496 = arith.constant 0 : i32
    %dma_wait3A_497 = arith.constant 0 : i32
    %dma_wait3A_498 = tpu.memref_slice %arg2[%dma_wait3A_496, %dma_wait3A_497] : memref<100000x128xf32, #tpu.memory_space<hbm>> -> memref<100000x128xf32, #tpu.memory_space<hbm>>
    tpu.wait_indirect_dma semaphore(%arg24 : memref<!tpu.dma_semaphore, #tpu.memory_space<semaphore_mem>>) src(%dma_wait3A_498 : memref<100000x128xf32, #tpu.memory_space<hbm>>) dst(%dma_wait3A_493 : memref<32x128xf32, #tpu.memory_space<vmem>>)
    %add3A_499 = arith.constant 22 : i32
    %add3A_500 = arith.addi %mul3A_4, %add3A_499 : i32
    %broadcast_in_dim3A_501 = arith.constant 0 : i32
    %broadcast_in_dim3A_502 = vector.broadcast %broadcast_in_dim3A_501 : i32 to vector<16xi32>
    %add3A_503 = vector.broadcast %add3A_500 : i32 to vector<16xi32>
    %add3A_504 = arith.addi %add3A_503, %broadcast_in_dim3A_502 : vector<16xi32>
    %dma_start3A_505 = arith.constant 352 : i32
    %dma_start3A_506 = arith.constant 0 : i32
    %dma_start3A_507 = tpu.memref_slice %arg9[%dma_start3A_505, %dma_start3A_506] : memref<512x128xf32, #tpu.memory_space<vmem>> -> memref<16x128xf32, #tpu.memory_space<vmem>>
    %dma_start3A_508 = arith.constant 0 : i32
    %dma_start3A_509 = arith.constant 0 : i32
    %dma_start3A_510 = tpu.memref_slice %arg12[%dma_start3A_508, %dma_start3A_509] : memref<512x128xf32, #tpu.memory_space<vmem_shared>> -> memref<512x128xf32, #tpu.memory_space<vmem_shared>>
    tpu.enqueue_indirect_dma source(%dma_start3A_507 : memref<16x128xf32, #tpu.memory_space<vmem>>) target(%dma_start3A_510 : memref<512x128xf32, #tpu.memory_space<vmem_shared>>) offsets(%add3A_504 : vector<16xi32>) semaphore(%arg30 : memref<!tpu.dma_semaphore, #tpu.memory_space<semaphore_mem>>) {add = true}
    %add3A_511 = arith.constant 23 : i32
    %add3A_512 = arith.addi %mul3A_4, %add3A_511 : i32
    %broadcast_in_dim3A_513 = arith.constant 0 : i32
    %broadcast_in_dim3A_514 = vector.broadcast %broadcast_in_dim3A_513 : i32 to vector<16xi32>
    %add3A_515 = vector.broadcast %add3A_512 : i32 to vector<16xi32>
    %add3A_516 = arith.addi %add3A_515, %broadcast_in_dim3A_514 : vector<16xi32>
    %dma_start3A_517 = arith.constant 368 : i32
    %dma_start3A_518 = arith.constant 0 : i32
    %dma_start3A_519 = tpu.memref_slice %arg9[%dma_start3A_517, %dma_start3A_518] : memref<512x128xf32, #tpu.memory_space<vmem>> -> memref<16x128xf32, #tpu.memory_space<vmem>>
    %dma_start3A_520 = arith.constant 0 : i32
    %dma_start3A_521 = arith.constant 0 : i32
    %dma_start3A_522 = tpu.memref_slice %arg12[%dma_start3A_520, %dma_start3A_521] : memref<512x128xf32, #tpu.memory_space<vmem_shared>> -> memref<512x128xf32, #tpu.memory_space<vmem_shared>>
    tpu.enqueue_indirect_dma source(%dma_start3A_519 : memref<16x128xf32, #tpu.memory_space<vmem>>) target(%dma_start3A_522 : memref<512x128xf32, #tpu.memory_space<vmem_shared>>) offsets(%add3A_516 : vector<16xi32>) semaphore(%arg30 : memref<!tpu.dma_semaphore, #tpu.memory_space<semaphore_mem>>) {add = true}
    %dma_wait3A_523 = arith.constant 384 : i32
    %dma_wait3A_524 = arith.constant 0 : i32
    %dma_wait3A_525 = tpu.memref_slice %arg9[%dma_wait3A_523, %dma_wait3A_524] : memref<512x128xf32, #tpu.memory_space<vmem>> -> memref<32x128xf32, #tpu.memory_space<vmem>>
    %dma_wait3A_526 = arith.constant 384 : i32
    %dma_wait3A_527 = tpu.memref_slice %arg7[%dma_wait3A_526] : memref<512xi32, #tpu.memory_space<vmem>> -> memref<32xi32, #tpu.memory_space<vmem>>
    %dma_wait3A_528 = arith.constant 0 : i32
    %dma_wait3A_529 = arith.constant 0 : i32
    %dma_wait3A_530 = tpu.memref_slice %arg2[%dma_wait3A_528, %dma_wait3A_529] : memref<100000x128xf32, #tpu.memory_space<hbm>> -> memref<100000x128xf32, #tpu.memory_space<hbm>>
    tpu.wait_indirect_dma semaphore(%arg25 : memref<!tpu.dma_semaphore, #tpu.memory_space<semaphore_mem>>) src(%dma_wait3A_530 : memref<100000x128xf32, #tpu.memory_space<hbm>>) dst(%dma_wait3A_525 : memref<32x128xf32, #tpu.memory_space<vmem>>)
    %add3A_531 = arith.constant 24 : i32
    %add3A_532 = arith.addi %mul3A_4, %add3A_531 : i32
    %broadcast_in_dim3A_533 = arith.constant 0 : i32
    %broadcast_in_dim3A_534 = vector.broadcast %broadcast_in_dim3A_533 : i32 to vector<16xi32>
    %add3A_535 = vector.broadcast %add3A_532 : i32 to vector<16xi32>
    %add3A_536 = arith.addi %add3A_535, %broadcast_in_dim3A_534 : vector<16xi32>
    %dma_start3A_537 = arith.constant 384 : i32
    %dma_start3A_538 = arith.constant 0 : i32
    %dma_start3A_539 = tpu.memref_slice %arg9[%dma_start3A_537, %dma_start3A_538] : memref<512x128xf32, #tpu.memory_space<vmem>> -> memref<16x128xf32, #tpu.memory_space<vmem>>
    %dma_start3A_540 = arith.constant 0 : i32
    %dma_start3A_541 = arith.constant 0 : i32
    %dma_start3A_542 = tpu.memref_slice %arg12[%dma_start3A_540, %dma_start3A_541] : memref<512x128xf32, #tpu.memory_space<vmem_shared>> -> memref<512x128xf32, #tpu.memory_space<vmem_shared>>
    tpu.enqueue_indirect_dma source(%dma_start3A_539 : memref<16x128xf32, #tpu.memory_space<vmem>>) target(%dma_start3A_542 : memref<512x128xf32, #tpu.memory_space<vmem_shared>>) offsets(%add3A_536 : vector<16xi32>) semaphore(%arg30 : memref<!tpu.dma_semaphore, #tpu.memory_space<semaphore_mem>>) {add = true}
    %add3A_543 = arith.constant 25 : i32
    %add3A_544 = arith.addi %mul3A_4, %add3A_543 : i32
    %broadcast_in_dim3A_545 = arith.constant 0 : i32
    %broadcast_in_dim3A_546 = vector.broadcast %broadcast_in_dim3A_545 : i32 to vector<16xi32>
    %add3A_547 = vector.broadcast %add3A_544 : i32 to vector<16xi32>
    %add3A_548 = arith.addi %add3A_547, %broadcast_in_dim3A_546 : vector<16xi32>
    %dma_start3A_549 = arith.constant 400 : i32
    %dma_start3A_550 = arith.constant 0 : i32
    %dma_start3A_551 = tpu.memref_slice %arg9[%dma_start3A_549, %dma_start3A_550] : memref<512x128xf32, #tpu.memory_space<vmem>> -> memref<16x128xf32, #tpu.memory_space<vmem>>
    %dma_start3A_552 = arith.constant 0 : i32
    %dma_start3A_553 = arith.constant 0 : i32
    %dma_start3A_554 = tpu.memref_slice %arg12[%dma_start3A_552, %dma_start3A_553] : memref<512x128xf32, #tpu.memory_space<vmem_shared>> -> memref<512x128xf32, #tpu.memory_space<vmem_shared>>
    tpu.enqueue_indirect_dma source(%dma_start3A_551 : memref<16x128xf32, #tpu.memory_space<vmem>>) target(%dma_start3A_554 : memref<512x128xf32, #tpu.memory_space<vmem_shared>>) offsets(%add3A_548 : vector<16xi32>) semaphore(%arg30 : memref<!tpu.dma_semaphore, #tpu.memory_space<semaphore_mem>>) {add = true}
    %dma_wait3A_555 = arith.constant 416 : i32
    %dma_wait3A_556 = arith.constant 0 : i32
    %dma_wait3A_557 = tpu.memref_slice %arg9[%dma_wait3A_555, %dma_wait3A_556] : memref<512x128xf32, #tpu.memory_space<vmem>> -> memref<32x128xf32, #tpu.memory_space<vmem>>
    %dma_wait3A_558 = arith.constant 416 : i32
    %dma_wait3A_559 = tpu.memref_slice %arg7[%dma_wait3A_558] : memref<512xi32, #tpu.memory_space<vmem>> -> memref<32xi32, #tpu.memory_space<vmem>>
    %dma_wait3A_560 = arith.constant 0 : i32
    %dma_wait3A_561 = arith.constant 0 : i32
    %dma_wait3A_562 = tpu.memref_slice %arg2[%dma_wait3A_560, %dma_wait3A_561] : memref<100000x128xf32, #tpu.memory_space<hbm>> -> memref<100000x128xf32, #tpu.memory_space<hbm>>
    tpu.wait_indirect_dma semaphore(%arg26 : memref<!tpu.dma_semaphore, #tpu.memory_space<semaphore_mem>>) src(%dma_wait3A_562 : memref<100000x128xf32, #tpu.memory_space<hbm>>) dst(%dma_wait3A_557 : memref<32x128xf32, #tpu.memory_space<vmem>>)
    %add3A_563 = arith.constant 26 : i32
    %add3A_564 = arith.addi %mul3A_4, %add3A_563 : i32
    %broadcast_in_dim3A_565 = arith.constant 0 : i32
    %broadcast_in_dim3A_566 = vector.broadcast %broadcast_in_dim3A_565 : i32 to vector<16xi32>
    %add3A_567 = vector.broadcast %add3A_564 : i32 to vector<16xi32>
    %add3A_568 = arith.addi %add3A_567, %broadcast_in_dim3A_566 : vector<16xi32>
    %dma_start3A_569 = arith.constant 416 : i32
    %dma_start3A_570 = arith.constant 0 : i32
    %dma_start3A_571 = tpu.memref_slice %arg9[%dma_start3A_569, %dma_start3A_570] : memref<512x128xf32, #tpu.memory_space<vmem>> -> memref<16x128xf32, #tpu.memory_space<vmem>>
    %dma_start3A_572 = arith.constant 0 : i32
    %dma_start3A_573 = arith.constant 0 : i32
    %dma_start3A_574 = tpu.memref_slice %arg12[%dma_start3A_572, %dma_start3A_573] : memref<512x128xf32, #tpu.memory_space<vmem_shared>> -> memref<512x128xf32, #tpu.memory_space<vmem_shared>>
    tpu.enqueue_indirect_dma source(%dma_start3A_571 : memref<16x128xf32, #tpu.memory_space<vmem>>) target(%dma_start3A_574 : memref<512x128xf32, #tpu.memory_space<vmem_shared>>) offsets(%add3A_568 : vector<16xi32>) semaphore(%arg30 : memref<!tpu.dma_semaphore, #tpu.memory_space<semaphore_mem>>) {add = true}
    %add3A_575 = arith.constant 27 : i32
    %add3A_576 = arith.addi %mul3A_4, %add3A_575 : i32
    %broadcast_in_dim3A_577 = arith.constant 0 : i32
    %broadcast_in_dim3A_578 = vector.broadcast %broadcast_in_dim3A_577 : i32 to vector<16xi32>
    %add3A_579 = vector.broadcast %add3A_576 : i32 to vector<16xi32>
    %add3A_580 = arith.addi %add3A_579, %broadcast_in_dim3A_578 : vector<16xi32>
    %dma_start3A_581 = arith.constant 432 : i32
    %dma_start3A_582 = arith.constant 0 : i32
    %dma_start3A_583 = tpu.memref_slice %arg9[%dma_start3A_581, %dma_start3A_582] : memref<512x128xf32, #tpu.memory_space<vmem>> -> memref<16x128xf32, #tpu.memory_space<vmem>>
    %dma_start3A_584 = arith.constant 0 : i32
    %dma_start3A_585 = arith.constant 0 : i32
    %dma_start3A_586 = tpu.memref_slice %arg12[%dma_start3A_584, %dma_start3A_585] : memref<512x128xf32, #tpu.memory_space<vmem_shared>> -> memref<512x128xf32, #tpu.memory_space<vmem_shared>>
    tpu.enqueue_indirect_dma source(%dma_start3A_583 : memref<16x128xf32, #tpu.memory_space<vmem>>) target(%dma_start3A_586 : memref<512x128xf32, #tpu.memory_space<vmem_shared>>) offsets(%add3A_580 : vector<16xi32>) semaphore(%arg30 : memref<!tpu.dma_semaphore, #tpu.memory_space<semaphore_mem>>) {add = true}
    %dma_wait3A_587 = arith.constant 448 : i32
    %dma_wait3A_588 = arith.constant 0 : i32
    %dma_wait3A_589 = tpu.memref_slice %arg9[%dma_wait3A_587, %dma_wait3A_588] : memref<512x128xf32, #tpu.memory_space<vmem>> -> memref<32x128xf32, #tpu.memory_space<vmem>>
    %dma_wait3A_590 = arith.constant 448 : i32
    %dma_wait3A_591 = tpu.memref_slice %arg7[%dma_wait3A_590] : memref<512xi32, #tpu.memory_space<vmem>> -> memref<32xi32, #tpu.memory_space<vmem>>
    %dma_wait3A_592 = arith.constant 0 : i32
    %dma_wait3A_593 = arith.constant 0 : i32
    %dma_wait3A_594 = tpu.memref_slice %arg2[%dma_wait3A_592, %dma_wait3A_593] : memref<100000x128xf32, #tpu.memory_space<hbm>> -> memref<100000x128xf32, #tpu.memory_space<hbm>>
    tpu.wait_indirect_dma semaphore(%arg27 : memref<!tpu.dma_semaphore, #tpu.memory_space<semaphore_mem>>) src(%dma_wait3A_594 : memref<100000x128xf32, #tpu.memory_space<hbm>>) dst(%dma_wait3A_589 : memref<32x128xf32, #tpu.memory_space<vmem>>)
    %add3A_595 = arith.constant 28 : i32
    %add3A_596 = arith.addi %mul3A_4, %add3A_595 : i32
    %broadcast_in_dim3A_597 = arith.constant 0 : i32
    %broadcast_in_dim3A_598 = vector.broadcast %broadcast_in_dim3A_597 : i32 to vector<16xi32>
    %add3A_599 = vector.broadcast %add3A_596 : i32 to vector<16xi32>
    %add3A_600 = arith.addi %add3A_599, %broadcast_in_dim3A_598 : vector<16xi32>
    %dma_start3A_601 = arith.constant 448 : i32
    %dma_start3A_602 = arith.constant 0 : i32
    %dma_start3A_603 = tpu.memref_slice %arg9[%dma_start3A_601, %dma_start3A_602] : memref<512x128xf32, #tpu.memory_space<vmem>> -> memref<16x128xf32, #tpu.memory_space<vmem>>
    %dma_start3A_604 = arith.constant 0 : i32
    %dma_start3A_605 = arith.constant 0 : i32
    %dma_start3A_606 = tpu.memref_slice %arg12[%dma_start3A_604, %dma_start3A_605] : memref<512x128xf32, #tpu.memory_space<vmem_shared>> -> memref<512x128xf32, #tpu.memory_space<vmem_shared>>
    tpu.enqueue_indirect_dma source(%dma_start3A_603 : memref<16x128xf32, #tpu.memory_space<vmem>>) target(%dma_start3A_606 : memref<512x128xf32, #tpu.memory_space<vmem_shared>>) offsets(%add3A_600 : vector<16xi32>) semaphore(%arg30 : memref<!tpu.dma_semaphore, #tpu.memory_space<semaphore_mem>>) {add = true}
    %add3A_607 = arith.constant 29 : i32
    %add3A_608 = arith.addi %mul3A_4, %add3A_607 : i32
    %broadcast_in_dim3A_609 = arith.constant 0 : i32
    %broadcast_in_dim3A_610 = vector.broadcast %broadcast_in_dim3A_609 : i32 to vector<16xi32>
    %add3A_611 = vector.broadcast %add3A_608 : i32 to vector<16xi32>
    %add3A_612 = arith.addi %add3A_611, %broadcast_in_dim3A_610 : vector<16xi32>
    %dma_start3A_613 = arith.constant 464 : i32
    %dma_start3A_614 = arith.constant 0 : i32
    %dma_start3A_615 = tpu.memref_slice %arg9[%dma_start3A_613, %dma_start3A_614] : memref<512x128xf32, #tpu.memory_space<vmem>> -> memref<16x128xf32, #tpu.memory_space<vmem>>
    %dma_start3A_616 = arith.constant 0 : i32
    %dma_start3A_617 = arith.constant 0 : i32
    %dma_start3A_618 = tpu.memref_slice %arg12[%dma_start3A_616, %dma_start3A_617] : memref<512x128xf32, #tpu.memory_space<vmem_shared>> -> memref<512x128xf32, #tpu.memory_space<vmem_shared>>
    tpu.enqueue_indirect_dma source(%dma_start3A_615 : memref<16x128xf32, #tpu.memory_space<vmem>>) target(%dma_start3A_618 : memref<512x128xf32, #tpu.memory_space<vmem_shared>>) offsets(%add3A_612 : vector<16xi32>) semaphore(%arg30 : memref<!tpu.dma_semaphore, #tpu.memory_space<semaphore_mem>>) {add = true}
    %dma_wait3A_619 = arith.constant 480 : i32
    %dma_wait3A_620 = arith.constant 0 : i32
    %dma_wait3A_621 = tpu.memref_slice %arg9[%dma_wait3A_619, %dma_wait3A_620] : memref<512x128xf32, #tpu.memory_space<vmem>> -> memref<32x128xf32, #tpu.memory_space<vmem>>
    %dma_wait3A_622 = arith.constant 480 : i32
    %dma_wait3A_623 = tpu.memref_slice %arg7[%dma_wait3A_622] : memref<512xi32, #tpu.memory_space<vmem>> -> memref<32xi32, #tpu.memory_space<vmem>>
    %dma_wait3A_624 = arith.constant 0 : i32
    %dma_wait3A_625 = arith.constant 0 : i32
    %dma_wait3A_626 = tpu.memref_slice %arg2[%dma_wait3A_624, %dma_wait3A_625] : memref<100000x128xf32, #tpu.memory_space<hbm>> -> memref<100000x128xf32, #tpu.memory_space<hbm>>
    tpu.wait_indirect_dma semaphore(%arg28 : memref<!tpu.dma_semaphore, #tpu.memory_space<semaphore_mem>>) src(%dma_wait3A_626 : memref<100000x128xf32, #tpu.memory_space<hbm>>) dst(%dma_wait3A_621 : memref<32x128xf32, #tpu.memory_space<vmem>>)
    %add3A_627 = arith.constant 30 : i32
    %add3A_628 = arith.addi %mul3A_4, %add3A_627 : i32
    %broadcast_in_dim3A_629 = arith.constant 0 : i32
    %broadcast_in_dim3A_630 = vector.broadcast %broadcast_in_dim3A_629 : i32 to vector<16xi32>
    %add3A_631 = vector.broadcast %add3A_628 : i32 to vector<16xi32>
    %add3A_632 = arith.addi %add3A_631, %broadcast_in_dim3A_630 : vector<16xi32>
    %dma_start3A_633 = arith.constant 480 : i32
    %dma_start3A_634 = arith.constant 0 : i32
    %dma_start3A_635 = tpu.memref_slice %arg9[%dma_start3A_633, %dma_start3A_634] : memref<512x128xf32, #tpu.memory_space<vmem>> -> memref<16x128xf32, #tpu.memory_space<vmem>>
    %dma_start3A_636 = arith.constant 0 : i32
    %dma_start3A_637 = arith.constant 0 : i32
    %dma_start3A_638 = tpu.memref_slice %arg12[%dma_start3A_636, %dma_start3A_637] : memref<512x128xf32, #tpu.memory_space<vmem_shared>> -> memref<512x128xf32, #tpu.memory_space<vmem_shared>>
    tpu.enqueue_indirect_dma source(%dma_start3A_635 : memref<16x128xf32, #tpu.memory_space<vmem>>) target(%dma_start3A_638 : memref<512x128xf32, #tpu.memory_space<vmem_shared>>) offsets(%add3A_632 : vector<16xi32>) semaphore(%arg30 : memref<!tpu.dma_semaphore, #tpu.memory_space<semaphore_mem>>) {add = true}
    %add3A_639 = arith.constant 31 : i32
    %add3A_640 = arith.addi %mul3A_4, %add3A_639 : i32
    %broadcast_in_dim3A_641 = arith.constant 0 : i32
    %broadcast_in_dim3A_642 = vector.broadcast %broadcast_in_dim3A_641 : i32 to vector<16xi32>
    %add3A_643 = vector.broadcast %add3A_640 : i32 to vector<16xi32>
    %add3A_644 = arith.addi %add3A_643, %broadcast_in_dim3A_642 : vector<16xi32>
    %dma_start3A_645 = arith.constant 496 : i32
    %dma_start3A_646 = arith.constant 0 : i32
    %dma_start3A_647 = tpu.memref_slice %arg9[%dma_start3A_645, %dma_start3A_646] : memref<512x128xf32, #tpu.memory_space<vmem>> -> memref<16x128xf32, #tpu.memory_space<vmem>>
    %dma_start3A_648 = arith.constant 0 : i32
    %dma_start3A_649 = arith.constant 0 : i32
    %dma_start3A_650 = tpu.memref_slice %arg12[%dma_start3A_648, %dma_start3A_649] : memref<512x128xf32, #tpu.memory_space<vmem_shared>> -> memref<512x128xf32, #tpu.memory_space<vmem_shared>>
    tpu.enqueue_indirect_dma source(%dma_start3A_647 : memref<16x128xf32, #tpu.memory_space<vmem>>) target(%dma_start3A_650 : memref<512x128xf32, #tpu.memory_space<vmem_shared>>) offsets(%add3A_644 : vector<16xi32>) semaphore(%arg30 : memref<!tpu.dma_semaphore, #tpu.memory_space<semaphore_mem>>) {add = true}
    %dma_wait3A_651 = arith.constant 0 : i32
    %dma_wait3A_652 = arith.constant 0 : i32
    %dma_wait3A_653 = tpu.memref_slice %arg9[%dma_wait3A_651, %dma_wait3A_652] : memref<512x128xf32, #tpu.memory_space<vmem>> -> memref<16x128xf32, #tpu.memory_space<vmem>>
    %dma_wait3A_654 = arith.constant 0 : i32
    %dma_wait3A_655 = arith.constant 0 : i32
    %dma_wait3A_656 = tpu.memref_slice %arg12[%dma_wait3A_654, %dma_wait3A_655] : memref<512x128xf32, #tpu.memory_space<vmem_shared>> -> memref<512x128xf32, #tpu.memory_space<vmem_shared>>
    tpu.wait_indirect_dma semaphore(%arg30 : memref<!tpu.dma_semaphore, #tpu.memory_space<semaphore_mem>>) src(%dma_wait3A_653 : memref<16x128xf32, #tpu.memory_space<vmem>>) dst(%dma_wait3A_656 : memref<512x128xf32, #tpu.memory_space<vmem_shared>>)
    %dma_wait3A_657 = arith.constant 16 : i32
    %dma_wait3A_658 = arith.constant 0 : i32
    %dma_wait3A_659 = tpu.memref_slice %arg9[%dma_wait3A_657, %dma_wait3A_658] : memref<512x128xf32, #tpu.memory_space<vmem>> -> memref<16x128xf32, #tpu.memory_space<vmem>>
    %dma_wait3A_660 = arith.constant 0 : i32
    %dma_wait3A_661 = arith.constant 0 : i32
    %dma_wait3A_662 = tpu.memref_slice %arg12[%dma_wait3A_660, %dma_wait3A_661] : memref<512x128xf32, #tpu.memory_space<vmem_shared>> -> memref<512x128xf32, #tpu.memory_space<vmem_shared>>
    tpu.wait_indirect_dma semaphore(%arg30 : memref<!tpu.dma_semaphore, #tpu.memory_space<semaphore_mem>>) src(%dma_wait3A_659 : memref<16x128xf32, #tpu.memory_space<vmem>>) dst(%dma_wait3A_662 : memref<512x128xf32, #tpu.memory_space<vmem_shared>>)
    %dma_wait3A_663 = arith.constant 32 : i32
    %dma_wait3A_664 = arith.constant 0 : i32
    %dma_wait3A_665 = tpu.memref_slice %arg9[%dma_wait3A_663, %dma_wait3A_664] : memref<512x128xf32, #tpu.memory_space<vmem>> -> memref<16x128xf32, #tpu.memory_space<vmem>>
    %dma_wait3A_666 = arith.constant 0 : i32
    %dma_wait3A_667 = arith.constant 0 : i32
    %dma_wait3A_668 = tpu.memref_slice %arg12[%dma_wait3A_666, %dma_wait3A_667] : memref<512x128xf32, #tpu.memory_space<vmem_shared>> -> memref<512x128xf32, #tpu.memory_space<vmem_shared>>
    tpu.wait_indirect_dma semaphore(%arg30 : memref<!tpu.dma_semaphore, #tpu.memory_space<semaphore_mem>>) src(%dma_wait3A_665 : memref<16x128xf32, #tpu.memory_space<vmem>>) dst(%dma_wait3A_668 : memref<512x128xf32, #tpu.memory_space<vmem_shared>>)
    %dma_wait3A_669 = arith.constant 48 : i32
    %dma_wait3A_670 = arith.constant 0 : i32
    %dma_wait3A_671 = tpu.memref_slice %arg9[%dma_wait3A_669, %dma_wait3A_670] : memref<512x128xf32, #tpu.memory_space<vmem>> -> memref<16x128xf32, #tpu.memory_space<vmem>>
    %dma_wait3A_672 = arith.constant 0 : i32
    %dma_wait3A_673 = arith.constant 0 : i32
    %dma_wait3A_674 = tpu.memref_slice %arg12[%dma_wait3A_672, %dma_wait3A_673] : memref<512x128xf32, #tpu.memory_space<vmem_shared>> -> memref<512x128xf32, #tpu.memory_space<vmem_shared>>
    tpu.wait_indirect_dma semaphore(%arg30 : memref<!tpu.dma_semaphore, #tpu.memory_space<semaphore_mem>>) src(%dma_wait3A_671 : memref<16x128xf32, #tpu.memory_space<vmem>>) dst(%dma_wait3A_674 : memref<512x128xf32, #tpu.memory_space<vmem_shared>>)
    %dma_wait3A_675 = arith.constant 64 : i32
    %dma_wait3A_676 = arith.constant 0 : i32
    %dma_wait3A_677 = tpu.memref_slice %arg9[%dma_wait3A_675, %dma_wait3A_676] : memref<512x128xf32, #tpu.memory_space<vmem>> -> memref<16x128xf32, #tpu.memory_space<vmem>>
    %dma_wait3A_678 = arith.constant 0 : i32
    %dma_wait3A_679 = arith.constant 0 : i32
    %dma_wait3A_680 = tpu.memref_slice %arg12[%dma_wait3A_678, %dma_wait3A_679] : memref<512x128xf32, #tpu.memory_space<vmem_shared>> -> memref<512x128xf32, #tpu.memory_space<vmem_shared>>
    tpu.wait_indirect_dma semaphore(%arg30 : memref<!tpu.dma_semaphore, #tpu.memory_space<semaphore_mem>>) src(%dma_wait3A_677 : memref<16x128xf32, #tpu.memory_space<vmem>>) dst(%dma_wait3A_680 : memref<512x128xf32, #tpu.memory_space<vmem_shared>>)
    %dma_wait3A_681 = arith.constant 80 : i32
    %dma_wait3A_682 = arith.constant 0 : i32
    %dma_wait3A_683 = tpu.memref_slice %arg9[%dma_wait3A_681, %dma_wait3A_682] : memref<512x128xf32, #tpu.memory_space<vmem>> -> memref<16x128xf32, #tpu.memory_space<vmem>>
    %dma_wait3A_684 = arith.constant 0 : i32
    %dma_wait3A_685 = arith.constant 0 : i32
    %dma_wait3A_686 = tpu.memref_slice %arg12[%dma_wait3A_684, %dma_wait3A_685] : memref<512x128xf32, #tpu.memory_space<vmem_shared>> -> memref<512x128xf32, #tpu.memory_space<vmem_shared>>
    tpu.wait_indirect_dma semaphore(%arg30 : memref<!tpu.dma_semaphore, #tpu.memory_space<semaphore_mem>>) src(%dma_wait3A_683 : memref<16x128xf32, #tpu.memory_space<vmem>>) dst(%dma_wait3A_686 : memref<512x128xf32, #tpu.memory_space<vmem_shared>>)
    %dma_wait3A_687 = arith.constant 96 : i32
    %dma_wait3A_688 = arith.constant 0 : i32
    %dma_wait3A_689 = tpu.memref_slice %arg9[%dma_wait3A_687, %dma_wait3A_688] : memref<512x128xf32, #tpu.memory_space<vmem>> -> memref<16x128xf32, #tpu.memory_space<vmem>>
    %dma_wait3A_690 = arith.constant 0 : i32
    %dma_wait3A_691 = arith.constant 0 : i32
    %dma_wait3A_692 = tpu.memref_slice %arg12[%dma_wait3A_690, %dma_wait3A_691] : memref<512x128xf32, #tpu.memory_space<vmem_shared>> -> memref<512x128xf32, #tpu.memory_space<vmem_shared>>
    tpu.wait_indirect_dma semaphore(%arg30 : memref<!tpu.dma_semaphore, #tpu.memory_space<semaphore_mem>>) src(%dma_wait3A_689 : memref<16x128xf32, #tpu.memory_space<vmem>>) dst(%dma_wait3A_692 : memref<512x128xf32, #tpu.memory_space<vmem_shared>>)
    %dma_wait3A_693 = arith.constant 112 : i32
    %dma_wait3A_694 = arith.constant 0 : i32
    %dma_wait3A_695 = tpu.memref_slice %arg9[%dma_wait3A_693, %dma_wait3A_694] : memref<512x128xf32, #tpu.memory_space<vmem>> -> memref<16x128xf32, #tpu.memory_space<vmem>>
    %dma_wait3A_696 = arith.constant 0 : i32
    %dma_wait3A_697 = arith.constant 0 : i32
    %dma_wait3A_698 = tpu.memref_slice %arg12[%dma_wait3A_696, %dma_wait3A_697] : memref<512x128xf32, #tpu.memory_space<vmem_shared>> -> memref<512x128xf32, #tpu.memory_space<vmem_shared>>
    tpu.wait_indirect_dma semaphore(%arg30 : memref<!tpu.dma_semaphore, #tpu.memory_space<semaphore_mem>>) src(%dma_wait3A_695 : memref<16x128xf32, #tpu.memory_space<vmem>>) dst(%dma_wait3A_698 : memref<512x128xf32, #tpu.memory_space<vmem_shared>>)
    %dma_wait3A_699 = arith.constant 128 : i32
    %dma_wait3A_700 = arith.constant 0 : i32
    %dma_wait3A_701 = tpu.memref_slice %arg9[%dma_wait3A_699, %dma_wait3A_700] : memref<512x128xf32, #tpu.memory_space<vmem>> -> memref<16x128xf32, #tpu.memory_space<vmem>>
    %dma_wait3A_702 = arith.constant 0 : i32
    %dma_wait3A_703 = arith.constant 0 : i32
    %dma_wait3A_704 = tpu.memref_slice %arg12[%dma_wait3A_702, %dma_wait3A_703] : memref<512x128xf32, #tpu.memory_space<vmem_shared>> -> memref<512x128xf32, #tpu.memory_space<vmem_shared>>
    tpu.wait_indirect_dma semaphore(%arg30 : memref<!tpu.dma_semaphore, #tpu.memory_space<semaphore_mem>>) src(%dma_wait3A_701 : memref<16x128xf32, #tpu.memory_space<vmem>>) dst(%dma_wait3A_704 : memref<512x128xf32, #tpu.memory_space<vmem_shared>>)
    %dma_wait3A_705 = arith.constant 144 : i32
    %dma_wait3A_706 = arith.constant 0 : i32
    %dma_wait3A_707 = tpu.memref_slice %arg9[%dma_wait3A_705, %dma_wait3A_706] : memref<512x128xf32, #tpu.memory_space<vmem>> -> memref<16x128xf32, #tpu.memory_space<vmem>>
    %dma_wait3A_708 = arith.constant 0 : i32
    %dma_wait3A_709 = arith.constant 0 : i32
    %dma_wait3A_710 = tpu.memref_slice %arg12[%dma_wait3A_708, %dma_wait3A_709] : memref<512x128xf32, #tpu.memory_space<vmem_shared>> -> memref<512x128xf32, #tpu.memory_space<vmem_shared>>
    tpu.wait_indirect_dma semaphore(%arg30 : memref<!tpu.dma_semaphore, #tpu.memory_space<semaphore_mem>>) src(%dma_wait3A_707 : memref<16x128xf32, #tpu.memory_space<vmem>>) dst(%dma_wait3A_710 : memref<512x128xf32, #tpu.memory_space<vmem_shared>>)
    %dma_wait3A_711 = arith.constant 160 : i32
    %dma_wait3A_712 = arith.constant 0 : i32
    %dma_wait3A_713 = tpu.memref_slice %arg9[%dma_wait3A_711, %dma_wait3A_712] : memref<512x128xf32, #tpu.memory_space<vmem>> -> memref<16x128xf32, #tpu.memory_space<vmem>>
    %dma_wait3A_714 = arith.constant 0 : i32
    %dma_wait3A_715 = arith.constant 0 : i32
    %dma_wait3A_716 = tpu.memref_slice %arg12[%dma_wait3A_714, %dma_wait3A_715] : memref<512x128xf32, #tpu.memory_space<vmem_shared>> -> memref<512x128xf32, #tpu.memory_space<vmem_shared>>
    tpu.wait_indirect_dma semaphore(%arg30 : memref<!tpu.dma_semaphore, #tpu.memory_space<semaphore_mem>>) src(%dma_wait3A_713 : memref<16x128xf32, #tpu.memory_space<vmem>>) dst(%dma_wait3A_716 : memref<512x128xf32, #tpu.memory_space<vmem_shared>>)
    %dma_wait3A_717 = arith.constant 176 : i32
    %dma_wait3A_718 = arith.constant 0 : i32
    %dma_wait3A_719 = tpu.memref_slice %arg9[%dma_wait3A_717, %dma_wait3A_718] : memref<512x128xf32, #tpu.memory_space<vmem>> -> memref<16x128xf32, #tpu.memory_space<vmem>>
    %dma_wait3A_720 = arith.constant 0 : i32
    %dma_wait3A_721 = arith.constant 0 : i32
    %dma_wait3A_722 = tpu.memref_slice %arg12[%dma_wait3A_720, %dma_wait3A_721] : memref<512x128xf32, #tpu.memory_space<vmem_shared>> -> memref<512x128xf32, #tpu.memory_space<vmem_shared>>
    tpu.wait_indirect_dma semaphore(%arg30 : memref<!tpu.dma_semaphore, #tpu.memory_space<semaphore_mem>>) src(%dma_wait3A_719 : memref<16x128xf32, #tpu.memory_space<vmem>>) dst(%dma_wait3A_722 : memref<512x128xf32, #tpu.memory_space<vmem_shared>>)
    %dma_wait3A_723 = arith.constant 192 : i32
    %dma_wait3A_724 = arith.constant 0 : i32
    %dma_wait3A_725 = tpu.memref_slice %arg9[%dma_wait3A_723, %dma_wait3A_724] : memref<512x128xf32, #tpu.memory_space<vmem>> -> memref<16x128xf32, #tpu.memory_space<vmem>>
    %dma_wait3A_726 = arith.constant 0 : i32
    %dma_wait3A_727 = arith.constant 0 : i32
    %dma_wait3A_728 = tpu.memref_slice %arg12[%dma_wait3A_726, %dma_wait3A_727] : memref<512x128xf32, #tpu.memory_space<vmem_shared>> -> memref<512x128xf32, #tpu.memory_space<vmem_shared>>
    tpu.wait_indirect_dma semaphore(%arg30 : memref<!tpu.dma_semaphore, #tpu.memory_space<semaphore_mem>>) src(%dma_wait3A_725 : memref<16x128xf32, #tpu.memory_space<vmem>>) dst(%dma_wait3A_728 : memref<512x128xf32, #tpu.memory_space<vmem_shared>>)
    %dma_wait3A_729 = arith.constant 208 : i32
    %dma_wait3A_730 = arith.constant 0 : i32
    %dma_wait3A_731 = tpu.memref_slice %arg9[%dma_wait3A_729, %dma_wait3A_730] : memref<512x128xf32, #tpu.memory_space<vmem>> -> memref<16x128xf32, #tpu.memory_space<vmem>>
    %dma_wait3A_732 = arith.constant 0 : i32
    %dma_wait3A_733 = arith.constant 0 : i32
    %dma_wait3A_734 = tpu.memref_slice %arg12[%dma_wait3A_732, %dma_wait3A_733] : memref<512x128xf32, #tpu.memory_space<vmem_shared>> -> memref<512x128xf32, #tpu.memory_space<vmem_shared>>
    tpu.wait_indirect_dma semaphore(%arg30 : memref<!tpu.dma_semaphore, #tpu.memory_space<semaphore_mem>>) src(%dma_wait3A_731 : memref<16x128xf32, #tpu.memory_space<vmem>>) dst(%dma_wait3A_734 : memref<512x128xf32, #tpu.memory_space<vmem_shared>>)
    %dma_wait3A_735 = arith.constant 224 : i32
    %dma_wait3A_736 = arith.constant 0 : i32
    %dma_wait3A_737 = tpu.memref_slice %arg9[%dma_wait3A_735, %dma_wait3A_736] : memref<512x128xf32, #tpu.memory_space<vmem>> -> memref<16x128xf32, #tpu.memory_space<vmem>>
    %dma_wait3A_738 = arith.constant 0 : i32
    %dma_wait3A_739 = arith.constant 0 : i32
    %dma_wait3A_740 = tpu.memref_slice %arg12[%dma_wait3A_738, %dma_wait3A_739] : memref<512x128xf32, #tpu.memory_space<vmem_shared>> -> memref<512x128xf32, #tpu.memory_space<vmem_shared>>
    tpu.wait_indirect_dma semaphore(%arg30 : memref<!tpu.dma_semaphore, #tpu.memory_space<semaphore_mem>>) src(%dma_wait3A_737 : memref<16x128xf32, #tpu.memory_space<vmem>>) dst(%dma_wait3A_740 : memref<512x128xf32, #tpu.memory_space<vmem_shared>>)
    %dma_wait3A_741 = arith.constant 240 : i32
    %dma_wait3A_742 = arith.constant 0 : i32
    %dma_wait3A_743 = tpu.memref_slice %arg9[%dma_wait3A_741, %dma_wait3A_742] : memref<512x128xf32, #tpu.memory_space<vmem>> -> memref<16x128xf32, #tpu.memory_space<vmem>>
    %dma_wait3A_744 = arith.constant 0 : i32
    %dma_wait3A_745 = arith.constant 0 : i32
    %dma_wait3A_746 = tpu.memref_slice %arg12[%dma_wait3A_744, %dma_wait3A_745] : memref<512x128xf32, #tpu.memory_space<vmem_shared>> -> memref<512x128xf32, #tpu.memory_space<vmem_shared>>
    tpu.wait_indirect_dma semaphore(%arg30 : memref<!tpu.dma_semaphore, #tpu.memory_space<semaphore_mem>>) src(%dma_wait3A_743 : memref<16x128xf32, #tpu.memory_space<vmem>>) dst(%dma_wait3A_746 : memref<512x128xf32, #tpu.memory_space<vmem_shared>>)
    %dma_wait3A_747 = arith.constant 256 : i32
    %dma_wait3A_748 = arith.constant 0 : i32
    %dma_wait3A_749 = tpu.memref_slice %arg9[%dma_wait3A_747, %dma_wait3A_748] : memref<512x128xf32, #tpu.memory_space<vmem>> -> memref<16x128xf32, #tpu.memory_space<vmem>>
    %dma_wait3A_750 = arith.constant 0 : i32
    %dma_wait3A_751 = arith.constant 0 : i32
    %dma_wait3A_752 = tpu.memref_slice %arg12[%dma_wait3A_750, %dma_wait3A_751] : memref<512x128xf32, #tpu.memory_space<vmem_shared>> -> memref<512x128xf32, #tpu.memory_space<vmem_shared>>
    tpu.wait_indirect_dma semaphore(%arg30 : memref<!tpu.dma_semaphore, #tpu.memory_space<semaphore_mem>>) src(%dma_wait3A_749 : memref<16x128xf32, #tpu.memory_space<vmem>>) dst(%dma_wait3A_752 : memref<512x128xf32, #tpu.memory_space<vmem_shared>>)
    %dma_wait3A_753 = arith.constant 272 : i32
    %dma_wait3A_754 = arith.constant 0 : i32
    %dma_wait3A_755 = tpu.memref_slice %arg9[%dma_wait3A_753, %dma_wait3A_754] : memref<512x128xf32, #tpu.memory_space<vmem>> -> memref<16x128xf32, #tpu.memory_space<vmem>>
    %dma_wait3A_756 = arith.constant 0 : i32
    %dma_wait3A_757 = arith.constant 0 : i32
    %dma_wait3A_758 = tpu.memref_slice %arg12[%dma_wait3A_756, %dma_wait3A_757] : memref<512x128xf32, #tpu.memory_space<vmem_shared>> -> memref<512x128xf32, #tpu.memory_space<vmem_shared>>
    tpu.wait_indirect_dma semaphore(%arg30 : memref<!tpu.dma_semaphore, #tpu.memory_space<semaphore_mem>>) src(%dma_wait3A_755 : memref<16x128xf32, #tpu.memory_space<vmem>>) dst(%dma_wait3A_758 : memref<512x128xf32, #tpu.memory_space<vmem_shared>>)
    %dma_wait3A_759 = arith.constant 288 : i32
    %dma_wait3A_760 = arith.constant 0 : i32
    %dma_wait3A_761 = tpu.memref_slice %arg9[%dma_wait3A_759, %dma_wait3A_760] : memref<512x128xf32, #tpu.memory_space<vmem>> -> memref<16x128xf32, #tpu.memory_space<vmem>>
    %dma_wait3A_762 = arith.constant 0 : i32
    %dma_wait3A_763 = arith.constant 0 : i32
    %dma_wait3A_764 = tpu.memref_slice %arg12[%dma_wait3A_762, %dma_wait3A_763] : memref<512x128xf32, #tpu.memory_space<vmem_shared>> -> memref<512x128xf32, #tpu.memory_space<vmem_shared>>
    tpu.wait_indirect_dma semaphore(%arg30 : memref<!tpu.dma_semaphore, #tpu.memory_space<semaphore_mem>>) src(%dma_wait3A_761 : memref<16x128xf32, #tpu.memory_space<vmem>>) dst(%dma_wait3A_764 : memref<512x128xf32, #tpu.memory_space<vmem_shared>>)
    %dma_wait3A_765 = arith.constant 304 : i32
    %dma_wait3A_766 = arith.constant 0 : i32
    %dma_wait3A_767 = tpu.memref_slice %arg9[%dma_wait3A_765, %dma_wait3A_766] : memref<512x128xf32, #tpu.memory_space<vmem>> -> memref<16x128xf32, #tpu.memory_space<vmem>>
    %dma_wait3A_768 = arith.constant 0 : i32
    %dma_wait3A_769 = arith.constant 0 : i32
    %dma_wait3A_770 = tpu.memref_slice %arg12[%dma_wait3A_768, %dma_wait3A_769] : memref<512x128xf32, #tpu.memory_space<vmem_shared>> -> memref<512x128xf32, #tpu.memory_space<vmem_shared>>
    tpu.wait_indirect_dma semaphore(%arg30 : memref<!tpu.dma_semaphore, #tpu.memory_space<semaphore_mem>>) src(%dma_wait3A_767 : memref<16x128xf32, #tpu.memory_space<vmem>>) dst(%dma_wait3A_770 : memref<512x128xf32, #tpu.memory_space<vmem_shared>>)
    %dma_wait3A_771 = arith.constant 320 : i32
    %dma_wait3A_772 = arith.constant 0 : i32
    %dma_wait3A_773 = tpu.memref_slice %arg9[%dma_wait3A_771, %dma_wait3A_772] : memref<512x128xf32, #tpu.memory_space<vmem>> -> memref<16x128xf32, #tpu.memory_space<vmem>>
    %dma_wait3A_774 = arith.constant 0 : i32
    %dma_wait3A_775 = arith.constant 0 : i32
    %dma_wait3A_776 = tpu.memref_slice %arg12[%dma_wait3A_774, %dma_wait3A_775] : memref<512x128xf32, #tpu.memory_space<vmem_shared>> -> memref<512x128xf32, #tpu.memory_space<vmem_shared>>
    tpu.wait_indirect_dma semaphore(%arg30 : memref<!tpu.dma_semaphore, #tpu.memory_space<semaphore_mem>>) src(%dma_wait3A_773 : memref<16x128xf32, #tpu.memory_space<vmem>>) dst(%dma_wait3A_776 : memref<512x128xf32, #tpu.memory_space<vmem_shared>>)
    %dma_wait3A_777 = arith.constant 336 : i32
    %dma_wait3A_778 = arith.constant 0 : i32
    %dma_wait3A_779 = tpu.memref_slice %arg9[%dma_wait3A_777, %dma_wait3A_778] : memref<512x128xf32, #tpu.memory_space<vmem>> -> memref<16x128xf32, #tpu.memory_space<vmem>>
    %dma_wait3A_780 = arith.constant 0 : i32
    %dma_wait3A_781 = arith.constant 0 : i32
    %dma_wait3A_782 = tpu.memref_slice %arg12[%dma_wait3A_780, %dma_wait3A_781] : memref<512x128xf32, #tpu.memory_space<vmem_shared>> -> memref<512x128xf32, #tpu.memory_space<vmem_shared>>
    tpu.wait_indirect_dma semaphore(%arg30 : memref<!tpu.dma_semaphore, #tpu.memory_space<semaphore_mem>>) src(%dma_wait3A_779 : memref<16x128xf32, #tpu.memory_space<vmem>>) dst(%dma_wait3A_782 : memref<512x128xf32, #tpu.memory_space<vmem_shared>>)
    %dma_wait3A_783 = arith.constant 352 : i32
    %dma_wait3A_784 = arith.constant 0 : i32
    %dma_wait3A_785 = tpu.memref_slice %arg9[%dma_wait3A_783, %dma_wait3A_784] : memref<512x128xf32, #tpu.memory_space<vmem>> -> memref<16x128xf32, #tpu.memory_space<vmem>>
    %dma_wait3A_786 = arith.constant 0 : i32
    %dma_wait3A_787 = arith.constant 0 : i32
    %dma_wait3A_788 = tpu.memref_slice %arg12[%dma_wait3A_786, %dma_wait3A_787] : memref<512x128xf32, #tpu.memory_space<vmem_shared>> -> memref<512x128xf32, #tpu.memory_space<vmem_shared>>
    tpu.wait_indirect_dma semaphore(%arg30 : memref<!tpu.dma_semaphore, #tpu.memory_space<semaphore_mem>>) src(%dma_wait3A_785 : memref<16x128xf32, #tpu.memory_space<vmem>>) dst(%dma_wait3A_788 : memref<512x128xf32, #tpu.memory_space<vmem_shared>>)
    %dma_wait3A_789 = arith.constant 368 : i32
    %dma_wait3A_790 = arith.constant 0 : i32
    %dma_wait3A_791 = tpu.memref_slice %arg9[%dma_wait3A_789, %dma_wait3A_790] : memref<512x128xf32, #tpu.memory_space<vmem>> -> memref<16x128xf32, #tpu.memory_space<vmem>>
    %dma_wait3A_792 = arith.constant 0 : i32
    %dma_wait3A_793 = arith.constant 0 : i32
    %dma_wait3A_794 = tpu.memref_slice %arg12[%dma_wait3A_792, %dma_wait3A_793] : memref<512x128xf32, #tpu.memory_space<vmem_shared>> -> memref<512x128xf32, #tpu.memory_space<vmem_shared>>
    tpu.wait_indirect_dma semaphore(%arg30 : memref<!tpu.dma_semaphore, #tpu.memory_space<semaphore_mem>>) src(%dma_wait3A_791 : memref<16x128xf32, #tpu.memory_space<vmem>>) dst(%dma_wait3A_794 : memref<512x128xf32, #tpu.memory_space<vmem_shared>>)
    %dma_wait3A_795 = arith.constant 384 : i32
    %dma_wait3A_796 = arith.constant 0 : i32
    %dma_wait3A_797 = tpu.memref_slice %arg9[%dma_wait3A_795, %dma_wait3A_796] : memref<512x128xf32, #tpu.memory_space<vmem>> -> memref<16x128xf32, #tpu.memory_space<vmem>>
    %dma_wait3A_798 = arith.constant 0 : i32
    %dma_wait3A_799 = arith.constant 0 : i32
    %dma_wait3A_800 = tpu.memref_slice %arg12[%dma_wait3A_798, %dma_wait3A_799] : memref<512x128xf32, #tpu.memory_space<vmem_shared>> -> memref<512x128xf32, #tpu.memory_space<vmem_shared>>
    tpu.wait_indirect_dma semaphore(%arg30 : memref<!tpu.dma_semaphore, #tpu.memory_space<semaphore_mem>>) src(%dma_wait3A_797 : memref<16x128xf32, #tpu.memory_space<vmem>>) dst(%dma_wait3A_800 : memref<512x128xf32, #tpu.memory_space<vmem_shared>>)
    %dma_wait3A_801 = arith.constant 400 : i32
    %dma_wait3A_802 = arith.constant 0 : i32
    %dma_wait3A_803 = tpu.memref_slice %arg9[%dma_wait3A_801, %dma_wait3A_802] : memref<512x128xf32, #tpu.memory_space<vmem>> -> memref<16x128xf32, #tpu.memory_space<vmem>>
    %dma_wait3A_804 = arith.constant 0 : i32
    %dma_wait3A_805 = arith.constant 0 : i32
    %dma_wait3A_806 = tpu.memref_slice %arg12[%dma_wait3A_804, %dma_wait3A_805] : memref<512x128xf32, #tpu.memory_space<vmem_shared>> -> memref<512x128xf32, #tpu.memory_space<vmem_shared>>
    tpu.wait_indirect_dma semaphore(%arg30 : memref<!tpu.dma_semaphore, #tpu.memory_space<semaphore_mem>>) src(%dma_wait3A_803 : memref<16x128xf32, #tpu.memory_space<vmem>>) dst(%dma_wait3A_806 : memref<512x128xf32, #tpu.memory_space<vmem_shared>>)
    %dma_wait3A_807 = arith.constant 416 : i32
    %dma_wait3A_808 = arith.constant 0 : i32
    %dma_wait3A_809 = tpu.memref_slice %arg9[%dma_wait3A_807, %dma_wait3A_808] : memref<512x128xf32, #tpu.memory_space<vmem>> -> memref<16x128xf32, #tpu.memory_space<vmem>>
    %dma_wait3A_810 = arith.constant 0 : i32
    %dma_wait3A_811 = arith.constant 0 : i32
    %dma_wait3A_812 = tpu.memref_slice %arg12[%dma_wait3A_810, %dma_wait3A_811] : memref<512x128xf32, #tpu.memory_space<vmem_shared>> -> memref<512x128xf32, #tpu.memory_space<vmem_shared>>
    tpu.wait_indirect_dma semaphore(%arg30 : memref<!tpu.dma_semaphore, #tpu.memory_space<semaphore_mem>>) src(%dma_wait3A_809 : memref<16x128xf32, #tpu.memory_space<vmem>>) dst(%dma_wait3A_812 : memref<512x128xf32, #tpu.memory_space<vmem_shared>>)
    %dma_wait3A_813 = arith.constant 432 : i32
    %dma_wait3A_814 = arith.constant 0 : i32
    %dma_wait3A_815 = tpu.memref_slice %arg9[%dma_wait3A_813, %dma_wait3A_814] : memref<512x128xf32, #tpu.memory_space<vmem>> -> memref<16x128xf32, #tpu.memory_space<vmem>>
    %dma_wait3A_816 = arith.constant 0 : i32
    %dma_wait3A_817 = arith.constant 0 : i32
    %dma_wait3A_818 = tpu.memref_slice %arg12[%dma_wait3A_816, %dma_wait3A_817] : memref<512x128xf32, #tpu.memory_space<vmem_shared>> -> memref<512x128xf32, #tpu.memory_space<vmem_shared>>
    tpu.wait_indirect_dma semaphore(%arg30 : memref<!tpu.dma_semaphore, #tpu.memory_space<semaphore_mem>>) src(%dma_wait3A_815 : memref<16x128xf32, #tpu.memory_space<vmem>>) dst(%dma_wait3A_818 : memref<512x128xf32, #tpu.memory_space<vmem_shared>>)
    %dma_wait3A_819 = arith.constant 448 : i32
    %dma_wait3A_820 = arith.constant 0 : i32
    %dma_wait3A_821 = tpu.memref_slice %arg9[%dma_wait3A_819, %dma_wait3A_820] : memref<512x128xf32, #tpu.memory_space<vmem>> -> memref<16x128xf32, #tpu.memory_space<vmem>>
    %dma_wait3A_822 = arith.constant 0 : i32
    %dma_wait3A_823 = arith.constant 0 : i32
    %dma_wait3A_824 = tpu.memref_slice %arg12[%dma_wait3A_822, %dma_wait3A_823] : memref<512x128xf32, #tpu.memory_space<vmem_shared>> -> memref<512x128xf32, #tpu.memory_space<vmem_shared>>
    tpu.wait_indirect_dma semaphore(%arg30 : memref<!tpu.dma_semaphore, #tpu.memory_space<semaphore_mem>>) src(%dma_wait3A_821 : memref<16x128xf32, #tpu.memory_space<vmem>>) dst(%dma_wait3A_824 : memref<512x128xf32, #tpu.memory_space<vmem_shared>>)
    %dma_wait3A_825 = arith.constant 464 : i32
    %dma_wait3A_826 = arith.constant 0 : i32
    %dma_wait3A_827 = tpu.memref_slice %arg9[%dma_wait3A_825, %dma_wait3A_826] : memref<512x128xf32, #tpu.memory_space<vmem>> -> memref<16x128xf32, #tpu.memory_space<vmem>>
    %dma_wait3A_828 = arith.constant 0 : i32
    %dma_wait3A_829 = arith.constant 0 : i32
    %dma_wait3A_830 = tpu.memref_slice %arg12[%dma_wait3A_828, %dma_wait3A_829] : memref<512x128xf32, #tpu.memory_space<vmem_shared>> -> memref<512x128xf32, #tpu.memory_space<vmem_shared>>
    tpu.wait_indirect_dma semaphore(%arg30 : memref<!tpu.dma_semaphore, #tpu.memory_space<semaphore_mem>>) src(%dma_wait3A_827 : memref<16x128xf32, #tpu.memory_space<vmem>>) dst(%dma_wait3A_830 : memref<512x128xf32, #tpu.memory_space<vmem_shared>>)
    %dma_wait3A_831 = arith.constant 480 : i32
    %dma_wait3A_832 = arith.constant 0 : i32
    %dma_wait3A_833 = tpu.memref_slice %arg9[%dma_wait3A_831, %dma_wait3A_832] : memref<512x128xf32, #tpu.memory_space<vmem>> -> memref<16x128xf32, #tpu.memory_space<vmem>>
    %dma_wait3A_834 = arith.constant 0 : i32
    %dma_wait3A_835 = arith.constant 0 : i32
    %dma_wait3A_836 = tpu.memref_slice %arg12[%dma_wait3A_834, %dma_wait3A_835] : memref<512x128xf32, #tpu.memory_space<vmem_shared>> -> memref<512x128xf32, #tpu.memory_space<vmem_shared>>
    tpu.wait_indirect_dma semaphore(%arg30 : memref<!tpu.dma_semaphore, #tpu.memory_space<semaphore_mem>>) src(%dma_wait3A_833 : memref<16x128xf32, #tpu.memory_space<vmem>>) dst(%dma_wait3A_836 : memref<512x128xf32, #tpu.memory_space<vmem_shared>>)
    %dma_wait3A_837 = arith.constant 496 : i32
    %dma_wait3A_838 = arith.constant 0 : i32
    %dma_wait3A_839 = tpu.memref_slice %arg9[%dma_wait3A_837, %dma_wait3A_838] : memref<512x128xf32, #tpu.memory_space<vmem>> -> memref<16x128xf32, #tpu.memory_space<vmem>>
    %dma_wait3A_840 = arith.constant 0 : i32
    %dma_wait3A_841 = arith.constant 0 : i32
    %dma_wait3A_842 = tpu.memref_slice %arg12[%dma_wait3A_840, %dma_wait3A_841] : memref<512x128xf32, #tpu.memory_space<vmem_shared>> -> memref<512x128xf32, #tpu.memory_space<vmem_shared>>
    tpu.wait_indirect_dma semaphore(%arg30 : memref<!tpu.dma_semaphore, #tpu.memory_space<semaphore_mem>>) src(%dma_wait3A_839 : memref<16x128xf32, #tpu.memory_space<vmem>>) dst(%dma_wait3A_842 : memref<512x128xf32, #tpu.memory_space<vmem_shared>>)
    %dma_wait3A_843 = arith.constant 0 : i32
    %dma_wait3A_844 = arith.constant 0 : i32
    %dma_wait3A_845 = tpu.memref_slice %arg2[%dma_wait3A_843, %dma_wait3A_844] : memref<100000x128xf32, #tpu.memory_space<hbm>> -> memref<100000x128xf32, #tpu.memory_space<hbm>>
    tpu.wait_indirect_dma semaphore(%arg29 : memref<!tpu.dma_semaphore, #tpu.memory_space<semaphore_mem>>) src(%dma_wait3A_845 : memref<100000x128xf32, #tpu.memory_space<hbm>>) dst(%arg10 : memref<32x128xf32, #tpu.memory_space<vmem>>)
    "tpu.region"() ({
      %run_scoped3A = tpu.sem_alloc : memref<!tpu.dma_semaphore, #tpu.memory_space<semaphore_mem>>
      %dma_start3A_846 = arith.constant 0 : i32
      %dma_start3A_847 = tpu.memref_slice %arg5[%mul3A_2, %dma_start3A_846] : memref<1024x128xf32, #tpu.memory_space<hbm>> -> memref<32x128xf32, #tpu.memory_space<hbm>>
      %dma_start3A_848 = arith.constant 0 : i32
      %dma_start3A_849 = tpu.memref_slice %arg5[%mul3A_2, %dma_start3A_848] : memref<1024x128xf32, #tpu.memory_space<hbm>> -> memref<32x128xf32, #tpu.memory_space<hbm>>
      tpu.enqueue_dma source(%arg10 : memref<32x128xf32, #tpu.memory_space<vmem>>) target(%dma_start3A_849 : memref<32x128xf32, #tpu.memory_space<hbm>>) target_semaphore(%run_scoped3A : memref<!tpu.dma_semaphore, #tpu.memory_space<semaphore_mem>>)
      %dma_wait3A_850 = arith.constant 0 : i32
      %dma_wait3A_851 = tpu.memref_slice %arg5[%mul3A_2, %dma_wait3A_850] : memref<1024x128xf32, #tpu.memory_space<hbm>> -> memref<32x128xf32, #tpu.memory_space<hbm>>
      %dma_wait3A_852 = arith.constant 0 : i32
      %dma_wait3A_853 = tpu.memref_slice %arg5[%mul3A_2, %dma_wait3A_852] : memref<1024x128xf32, #tpu.memory_space<hbm>> -> memref<32x128xf32, #tpu.memory_space<hbm>>
      tpu.wait_dma2 semaphore(%run_scoped3A : memref<!tpu.dma_semaphore, #tpu.memory_space<semaphore_mem>>) src(%arg10 : memref<32x128xf32, #tpu.memory_space<vmem>>) dst(%dma_wait3A_853 : memref<32x128xf32, #tpu.memory_space<hbm>>)
      tpu.yield
    }) : () -> ()
    "tpu.region"() ({
      %run_scoped3A = tpu.sem_alloc : memref<!tpu.dma_semaphore, #tpu.memory_space<semaphore_mem>>
      %dma_start3A_846 = arith.constant 0 : i32
      %dma_start3A_847 = tpu.memref_slice %arg6[%mul3A_2, %dma_start3A_846] : memref<1024x128xf32, #tpu.memory_space<hbm>> -> memref<32x128xf32, #tpu.memory_space<hbm>>
      %dma_start3A_848 = arith.constant 0 : i32
      %dma_start3A_849 = tpu.memref_slice %arg12[%mul3A_4, %dma_start3A_848] : memref<512x128xf32, #tpu.memory_space<vmem_shared>> -> memref<32x128xf32, #tpu.memory_space<vmem_shared>>
      tpu.enqueue_dma source(%dma_start3A_849 : memref<32x128xf32, #tpu.memory_space<vmem_shared>>) target(%dma_start3A_847 : memref<32x128xf32, #tpu.memory_space<hbm>>) target_semaphore(%run_scoped3A : memref<!tpu.dma_semaphore, #tpu.memory_space<semaphore_mem>>)
      %dma_wait3A_850 = arith.constant 0 : i32
      %dma_wait3A_851 = tpu.memref_slice %arg6[%mul3A_2, %dma_wait3A_850] : memref<1024x128xf32, #tpu.memory_space<hbm>> -> memref<32x128xf32, #tpu.memory_space<hbm>>
      %dma_wait3A_852 = arith.constant 0 : i32
      %dma_wait3A_853 = tpu.memref_slice %arg12[%mul3A_4, %dma_wait3A_852] : memref<512x128xf32, #tpu.memory_space<vmem_shared>> -> memref<32x128xf32, #tpu.memory_space<vmem_shared>>
      tpu.wait_dma2 semaphore(%run_scoped3A : memref<!tpu.dma_semaphore, #tpu.memory_space<semaphore_mem>>) src(%dma_wait3A_853 : memref<32x128xf32, #tpu.memory_space<vmem_shared>>) dst(%dma_wait3A_851 : memref<32x128xf32, #tpu.memory_space<hbm>>)
      tpu.yield
    }) : () -> ()
    return
  }
}

module attributes {stable_mosaic.version = 14 : i64} {
  func.func @body(%arg0: i32, %arg1: memref<64x128xf32, #tpu.memory_space<vmem>>, %arg2: memref<64x128xf32, #tpu.memory_space<vmem>>, %arg3: memref<64x256x128xf32, #tpu.memory_space<vmem>>, %arg4: memref<64x128xf32, #tpu.memory_space<vmem>>) attributes {dimension_semantics = [#tpu.dimension_semantics<arbitrary>], iteration_bounds = array<i64: 16>, scalar_prefetch = 0 : i64, scratch_operands = 0 : i64, tpu.core_type = #tpu.core_type<tc>, window_params = [{transform_indices = @transform_0, window_bounds = array<i64: 64, 128>}, {transform_indices = @transform_1, window_bounds = array<i64: 64, 128>}, {transform_indices = @transform_2, window_bounds = array<i64: 64, 256, 128>}, {transform_indices = @transform_3, window_bounds = array<i64: 64, 128>}]} {
    %get3A = arith.constant 0 : index
    %get3A_0 = arith.constant 0 : index
    %get3A_1 = vector.load %arg1[%get3A, %get3A_0] : memref<64x128xf32, #tpu.memory_space<vmem>>, vector<64x128xf32>
    %get3A_2 = arith.constant 0 : index
    %get3A_3 = arith.constant 0 : index
    %get3A_4 = vector.load %arg2[%get3A_2, %get3A_3] : memref<64x128xf32, #tpu.memory_space<vmem>>, vector<64x128xf32>
    %mul3A = arith.constant 6.250000e-02 : f32
    %mul3A_5 = vector.broadcast %mul3A : f32 to vector<64x128xf32>
    %mul3A_6 = arith.mulf %get3A_4, %mul3A_5 : vector<64x128xf32>
    %concatenate3A = tpu.concatenate %get3A_1, %mul3A_6 in 1 : vector<64x128xf32>, vector<64x128xf32> -> vector<64x256xf32>
    %get3A_7 = arith.constant 0 : index
    %get3A_8 = arith.constant 0 : index
    %get3A_9 = arith.constant 0 : index
    %get3A_10 = vector.load %arg3[%get3A_7, %get3A_8, %get3A_9] : memref<64x256x128xf32, #tpu.memory_space<vmem>>, vector<64x256x128xf32>
    %dot_general3A = arith.constant dense<0.000000e+00> : vector<64x128xf32>
    %dot_general3A_11 = tpu.matmul %concatenate3A, %get3A_10, %dot_general3A {dimension_numbers = #tpu.dot_dimension_numbers<[1], [1], [], [2], [0, 0, 1, 2], [0], [0]>, transpose_lhs_hint = false} : vector<64x256xf32>, vector<64x256x128xf32>, vector<64x128xf32> -> vector<64x128xf32>
    %max3A = arith.constant 0.000000e+00 : f32
    %max3A_12 = vector.broadcast %max3A : f32 to vector<64x128xf32>
    %max3A_13 = arith.maximumf %dot_general3A_11, %max3A_12 : vector<64x128xf32>
    %swap3A = arith.constant 0 : index
    %swap3A_14 = arith.constant 0 : index
    %swap3A_15 = vector.load %arg4[%swap3A, %swap3A_14] : memref<64x128xf32, #tpu.memory_space<vmem>>, vector<64x128xf32>
    tpu.vector_store %arg4[%swap3A, %swap3A_14], %max3A_13 {strides = array<i32>} : memref<64x128xf32, #tpu.memory_space<vmem>>, vector<64x128xf32>,
    return
  }
  func.func @transform_0(%arg0: i32) -> (i32, i32) {
    %c0_i32 = arith.constant 0 : i32
    %c0_i32_0 = arith.constant 0 : i32
    return %arg0, %c0_i32 : i32, i32
  }
  func.func @transform_1(%arg0: i32) -> (i32, i32) {
    %c0_i32 = arith.constant 0 : i32
    %c0_i32_0 = arith.constant 0 : i32
    return %arg0, %c0_i32 : i32, i32
  }
  func.func @transform_2(%arg0: i32) -> (i32, i32, i32) {
    %c0_i32 = arith.constant 0 : i32
    %c0_i32_0 = arith.constant 0 : i32
    %c0_i32_1 = arith.constant 0 : i32
    return %arg0, %c0_i32, %c0_i32_0 : i32, i32, i32
  }
  func.func @transform_3(%arg0: i32) -> (i32, i32) {
    %c0_i32 = arith.constant 0 : i32
    %c0_i32_0 = arith.constant 0 : i32
    return %arg0, %c0_i32 : i32, i32
  }
}

</mosaic_0001>

<sc_bundles>
// kernel: kernel.4.cloned.1.call-start
scs
__scs_entry_jumppad:
0x0: {  	(pc) =	sbr.rel $0x88, $3  }
0x1: {  	(tag) =	ssettag $0x0;
	lr =	simm.s32 $0x1  }
0x2: {  	[smem:$0x3F9D] =	sst lr;
	_ =	strace $0xD0000000  }
0x3: {  	_ = 	snop  }
0x4: {  	_ = 	snop  }
0x5: {  	_ = 	snop  }
0x6: {  	_ = 	snop  }
0x7: {  	_ = 	snop  }
__scs_overlays_trampoline_lowered:
0x8: {  	[smem:$0x3FAC] =	sst s0  }
0x9: {  	[smem:$0x3FAD] =	sst s1  }
0xa: {  	[smem:$0x3FAE] =	sst s2  }
0xb: {  	[smem:$0x3FAF] =	sst s3  }
0xc: {  	[smem:$0x3FB0] =	sst s4  }
0xd: {  	[smem:$0x3FB1] =	sst s5  }
0xe: {  	[smem:$0x3FB2] =	sst s6  }
0xf: {  	[smem:$0x3FB3] =	sst s7  }
0x10: {  	[smem:$0x3FB4] =	sst s8  }
0x11: {  	[smem:$0x3FB5] =	sst s9;
	s0 =	simm.s32 @!p0 $0x0  }
0x12: {  	s1 =	sld [smem:$0x3F9B];
	s0 =	simm.s32 @p0 $0x1  }
0x13: {  	[smem:$0x3FB6] =	sst s0;
	s0 =	simm.s32 @!p1 $0x0  }
0x14: {  	s2 =	sld [smem:$0x3F9A];
	s0 =	simm.s32 @p1 $0x1  }
0x15: {  	[smem:$0x3FB7] =	sst s0;
	s0 =	simm.s32 @!p2 $0x0  }
0x16: {  	s3 =	sld [smem:$0x3FDB];
	s0 =	simm.s32 @p2 $0x1  }
0x17: {  	s4 =	simm.s32 $0x1BF5;
	[smem:$0x3FB9] =	sst s0  }
0x18: {  	s0 =	sld [smem:$0x3F9C];
	_ =	swait.ge [sflag:s4], $0x0  }
0x19: {  	s7 =	sld [smem:$0x3F9D]  }
0x1a: {  	s8 =	sadd.s32 $0xFFFFE003, lr  }
0x1b: {  	s9 =	sadd.s32 $0xFFFFFEF7, lr;
	s5 =	simm.s32 $0xFFFFFFFF;
	p2 =	slt.u32 s8, $0xFFFFF086  }
0x1c: {  	p1 =	slt.u32 s9, $0xF7A;
	s5 =	simm.s32 @!p2 $0x0  }
0x1d: {  	s5 =	simm.s32 @p1 $0x1;
	p0 =	seq.s32 s7, s2  }
0x1e: {  	s7 =	smul.u32 @!p0 $0xF7A, s2;
	p2 =	seq.s32 @!p0 s5, $0x0  }
0x1f: {  	s9 =	smul.u32 $0xF7A, s1;
	s8 =	simm.s32 @!p0 $0x1BF5;
	p2 =	por !p2, p0  }
0x20: {  	[sflag:s8] =	ssyncset.s32 @!p0 $0xFFFFF086;
	s6 =	sadd.s32 @!p0 s3, s7;
	s7 =	simm.s32 @!p0 $0x108  }
0x21: {  	s3 =	sadd.s32 s3, s9;
	s6 =	sadd.s32 @!p0 $0x88, s6;
	s7 =	simm.s32 @p2 $0x1082  }
0x22: {  	[simem:s7], [sflag:s8] =	dma.local @!p0 [hbm:s6], $0xF7A  }
0x23: {  	s9 =	sor.u32 $0xD0000000, s2;
	s6 =	simm.s32 $0x108;
	_ =	swait.ge @!p0 [sflag:s8], $0x0  }
0x24: {  	s3 =	sadd.s32 $0x88, s3;
	s6 =	simm.s32 @!p1 $0x1082;
	[sflag:s4] =	ssyncset.s32 $0xFFFFF086  }
0x25: {  	[simem:s6], [sflag:s4] =	dma.local [hbm:s3], $0xF7A  }
0x26: {  	[smem:$0x3F9D] =	sst s1;
	(tag) =	ssettag s2;
	_ =	strace s9  }
0x27: {  	s1 =	sld [smem:$0x3FAD]  }
0x28: {  	s2 =	sld [smem:$0x3FAE]  }
0x29: {  	s4 =	sld [smem:$0x3FB0]  }
0x2a: {  	p0 =	seq.s32 s5, $0x0;
	s5 =	sld [smem:$0x3FB1]  }
0x2b: {  	s6 =	sld [smem:$0x3FB2]  }
0x2c: {  	s7 =	sld [smem:$0x3FB3]  }
0x2d: {  	s3 =	simm.s32 $0x108;
	s8 =	sld [smem:$0x3FB4]  }
0x2e: {  	s3 =	simm.s32 @!p0 $0x1082;
	s9 =	sld [smem:$0x3FB5]  }
0x2f: {  	lr =	sadd.s32 s0, s3;
	s0 =	sld [smem:$0x3FAC]  }
0x30: {  	s3 =	sld [smem:$0x3FAF]  }
0x31: {  	[smem:$0x3FB8] =	sst s10  }
0x32: {  	s10 =	sld [smem:$0x3FB6];
	_ =	sdelay $0x3  }
0x33: {  	p0 =	seq.s32 s10, $0x1;
	s10 =	sld [smem:$0x3FB8];
	_ =	sdelay $0x3  }
0x34: {  	[smem:$0x3FB8] =	sst s10  }
0x35: {  	s10 =	sld [smem:$0x3FB7];
	_ =	sdelay $0x3  }
0x36: {  	p1 =	seq.s32 s10, $0x1;
	s10 =	sld [smem:$0x3FB8];
	_ =	sdelay $0x3  }
0x37: {  	[smem:$0x3FB8] =	sst s10  }
0x38: {  	s10 =	sld [smem:$0x3FB9]  }
0x39: {  	_ = 	snop;
	(pc) =	sbr.ind lr, $3  }
0x3a: {  	_ = 	snop  }
0x3b: {  	_ = 	snop  }
0x3c: {  	p2 =	seq.s32 s10, $0x1;
	s10 =	sld [smem:$0x3FB8]  }
0x3d: {  	_ =	shalt  }
0x3e: {  	_ =	shalt  }
0x3f: {  	_ =	shalt  }
0x40: {  	_ =	shalt  }
0x41: {  	_ =	shalt  }
0x42: {  	_ =	shalt  }
0x43: {  	_ =	shalt  }
0x44: {  	_ =	shalt  }
0x45: {  	_ =	shalt  }
0x46: {  	_ =	shalt  }
0x47: {  	_ =	shalt  }
0x48: {  	_ =	shalt  }
0x49: {  	_ =	shalt  }
0x4a: {  	_ =	shalt  }
0x4b: {  	_ =	shalt  }
0x4c: {  	_ =	shalt  }
0x4d: {  	_ =	shalt  }
0x4e: {  	_ =	shalt  }
0x4f: {  	_ =	shalt  }
0x50: {  	_ =	shalt  }
0x51: {  	_ =	shalt  }
0x52: {  	_ =	shalt  }
0x53: {  	_ =	shalt  }
0x54: {  	_ =	shalt  }
0x55: {  	_ =	shalt  }
0x56: {  	_ =	shalt  }
0x57: {  	_ =	shalt  }
0x58: {  	_ =	shalt  }
0x59: {  	_ =	shalt  }
0x5a: {  	_ =	shalt  }
0x5b: {  	_ =	shalt  }
0x5c: {  	_ =	shalt  }
0x5d: {  	_ =	shalt  }
0x5e: {  	_ =	shalt  }
0x5f: {  	_ =	shalt  }
0x60: {  	_ =	shalt  }
0x61: {  	_ =	shalt  }
0x62: {  	_ =	shalt  }
0x63: {  	_ =	shalt  }
0x64: {  	_ =	shalt  }
0x65: {  	_ =	shalt  }
0x66: {  	_ =	shalt  }
0x67: {  	_ =	shalt  }
0x68: {  	_ =	shalt  }
0x69: {  	_ =	shalt  }
0x6a: {  	_ =	shalt  }
0x6b: {  	_ =	shalt  }
0x6c: {  	_ =	shalt  }
0x6d: {  	_ =	shalt  }
0x6e: {  	_ =	shalt  }
0x6f: {  	_ =	shalt  }
0x70: {  	_ =	shalt  }
0x71: {  	_ =	shalt  }
0x72: {  	_ =	shalt  }
0x73: {  	_ =	shalt  }
0x74: {  	_ =	shalt  }
0x75: {  	_ =	shalt  }
0x76: {  	_ =	shalt  }
0x77: {  	_ =	shalt  }
0x78: {  	_ =	shalt  }
0x79: {  	_ =	shalt  }
0x7a: {  	_ =	shalt  }
0x7b: {  	_ =	shalt  }
0x7c: {  	_ =	shalt  }
0x7d: {  	_ =	shalt  }
0x7e: {  	_ =	shalt  }
0x7f: {  	_ =	shalt  }
0x80: {  	_ =	shalt  }
0x81: {  	_ =	shalt  }
0x82: {  	_ =	shalt  }
0x83: {  	_ =	shalt  }
0x84: {  	_ =	shalt  }
0x85: {  	_ =	shalt  }
0x86: {  	_ =	shalt  }
0x87: {  	_ =	shalt  }
.Lfunc_end0:
.L_simem_size_0:
called_computation_lowered:
.L_overlay_start_0:
0x88: {  	s2 =	sld [smem:$0x3FD9]  }
0x89: {  	s3 =	sld [smem:$0x3FFE];
	_ =	sdelay $0x1  }
0x8a: {  	s1 =	srdreg.scid  }
0x8b: {  	s0 =	sand.u32 $0x1, s1  }
0x8c: {  	s17 =	sshll.u32 s0, $0xA;
	s2 =	sadd.s32 s3, s2  }
0x8d: {  	s2 =	sadd.s32 s2, s17  }
0x8e: {  	[smem:$0x3FC4] =	sst s2  }
0x8f: {  	_ = 	snop  }
0x90: {  	s2 =	sld [smem:$0x3FC9]  }
0x91: {  	s18 =	sld [smem:$0x3FC8]  }
0x92: {  	s4 =	sld [smem:$0x3FD0];
	(tm) =	ssettm $0x1  }
0x93: {  	s5 =	sld [smem:$0x3FFB];
	_ =	sdelay $0x3  }
0x94: {  	_ =	strace s5  }
0x95: {  	s5 =	sld [smem:$0x3FFC];
	_ =	sdelay $0x3  }
0x96: {  	_ =	strace s5  }
0x97: {  	s5 =	sld [smem:$0x3FFD];
	_ =	sdelay $0x3  }
0x98: {  	_ =	strace s5  }
0x99: {  	_ =	strace $0x8FFFFFFF  }
0x9a: {  	s19 =	sld [smem:$0x3FDB];
	_ =	sdelay $0x1  }
0x9b: {  	s6 =	simm.s32 $_scs_section_size  }
0x9c: {  	s7 =	simm.s32 $_size__tile_overlayer_lowered;
	s8 =	simm.s32 $_tile_overlayer_lowered  }
0x9d: {  	s22 =	simm.s32 $0x1BFF;
	s21 =	sshll.u32 s8, $0x1;
	s5 =	sadd.s32 s6, s19  }
0x9e: {  	s9 =	simm.s32 $0x0;
	s20 =	sshll.u32 s7, $0x1;
	s7 =	sadd.s32 s21, s5  }
0x9f: {  	[timem:s9], [sflag:s22] =	dma.local [hbm:s7], s20  }
0xa0: {  	_ =	swait.ge [sflag:s22], s20  }
0xa1: {  	s6 =	ssub.s32 $0x0, s20;
	[sflag:s22] =	ssyncset.done $0x0  }
0xa2: {  	[sflag:s22] =	ssyncadd.s32 s6;
	_ =	sdelay $0x1  }
0xa3: {  	s23 =	simm.s32 $0x1B8B  }
0xa4: {  	_ =	swait.ge [sflag:s23], $0x1  }
0xa5: {  	[sflag:s23] =	ssyncset.done $0x0  }
0xa6: {  	s25 =	simm.s32 $0x1B8E;
	s24 =	sld [smem:$0x3FFE];
	[sflag:s23] =	ssyncadd.s32 $0xFFFFFFFF  }
0xa7: {  	s26 =	simm.s32 $execute0_lowered;
	[smem:$0x3FD2] =	sst s25  }
0xa8: {  	s7 =	sshll.u32 s26, $0x1;
	_ =	strace $0x80000046;
	[dreg:$0x1] =	wrdreg $0xFFFFFFFF  }
0xa9: {  	s28 =	simm.s32 $_size_execute0_lowered;
	s5 =	sadd.s32 s5, s7;
	[dreg:$0x0] =	wrdreg $0x0  }
0xaa: {  	s7 =	sshll.u32 s28, $0x1;
	[dreg:$0x2] =	wrdreg s5  }
0xab: {  	[dreg:$0x3] =	wrdreg s7  }
0xac: {  	[dreg:$0x4] =	wrdreg $0xC0  }
0xad: {  	_ =	task [dreg:s9], $0x5FFFF  }
0xae: {  	[dreg:$0x1] =	wrdreg $0xFFFFFFFF  }
0xaf: {  	[dreg:$0x0] =	wrdreg $0x60  }
0xb0: {  	[dreg:$0x2] =	wrdreg s2  }
0xb1: {  	[dreg:$0x3] =	wrdreg s18  }
0xb2: {  	[dreg:$0x4] =	wrdreg s24  }
0xb3: {  	[dreg:$0x5] =	wrdreg s4  }
0xb4: {  	[dreg:$0x6] =	wrdreg $0x122800  }
0xb5: {  	[dreg:$0x7] =	wrdreg $0x9  }
0xb6: {  	_ =	task.clear_ibuf [dreg:s9], $0x8FFFF;
	_ =	strace $0x90000046  }
0xb7: {  	s29 =	simm.s32 $0x9;
	_ =	strace $0x80000048  }
0xb8: {  	_ =	swait.ge [sflag:s29], $0x1  }
0xb9: {  	[sflag:s29] =	ssyncadd.s32 $0xFFFFFFFF  }
0xba: {  	_ =	strace $0x90000048  }
0xbb: {  	_ =	sfence  }
0xbc: {  	s30 =	sld [smem:$0x0];
	_ =	sdelay $0x2  }
0xbd: {  	s31 =	sshll.u32 s1, $0xD;
	s1 =	sshrl.u32 s1, $0x2  }
0xbe: {  	s3 =	sand.u32 $0x4000, s31;
	s1 =	sadd.s32 s1, s30  }
0xbf: {  	s0 =	sor.u32 s3, s0;
	s1 =	sshll.u32 s1, $0x11  }
0xc0: {  	s0 =	sor.u32 s1, s0  }
0xc1: {  	s0 =	sadd.s32 $0x8F2B, s0  }
0xc2: {  	[sflag:s0] =	ssyncadd.remote.s32 $0x1  }
0xc3: {  	_ =	sfence.sel $0xFFFF  }
0xc4: {  	[dreg:$0x0] =	wrdreg $0xFFFFFFFF;
	(pc) =	sbr.abs _section_cstart, $3  }
0xc5: {  	[dreg:$0x1] =	wrdreg $0xFFFFFFFF  }
0xc6: {  	_ =	task.clear_ibuf [dreg:s9], $0x2FFFF;
	_ =	strace $0x9FFFFFFF  }
0xc7: {  	(tm) =	ssettm $0x7FFFFFFF  }
tec
execute0_lowered:
.L_overlay_start_1:
0x0: {  	(tag) =	ssettag $0x1  }
0x1: {  	s1 =	rddreg [dreg:$0x0]  }
0x2: {  	s0 =	rddreg [dreg:$0x1]  }
0x3: {  	s2 =	rddreg [dreg:$0x2]  }
0x4: {  	s11 =	rddreg [dreg:$0x3]  }
0x5: {  	s3 =	rddreg [dreg:$0x4]  }
0x6: {  	s10 =	simm.s32 $0x0;
	s5 =	srdreg.scid;
	s20 =	stileid.u32  }
0x7: {  	[smem:$0x7FF] =	sst s10;
	s5 =	sand.u32 $0x1, s5;
	s6 =	sshll.u32 s20, $0x1  }
0x8: {  	s9 =	sshll.u32 s20, $0xC;
	s6 =	sor.u32 s5, s6;
	s5 =	ssub.s32 $0x2, s5  }
0x9: {  	s7 =	sshll.u32 s6, $0x6;
	s13 =	sshll.u32 s6, $0x9;
	s6 =	sshll.u32 s6, $0x2  }
0xa: {  	_ =	strace $0x80000047;
	s8 =	sshrl.u32 s5, $0x1;
	s0 =	sadd.s32 s0, s6  }
0xb: {  	s7 =	sadd.s32 s7, s2;
	s11 =	sadd.s32 s11, s13;
	[dreg:$0x7] =	wrdreg s0  }
0xc: {  	s18 =	ssub.s32 s5, s8;
	s7 =	sadd.s32 $0xC00, s7;
	[dreg:$0x8] =	wrdreg s11  }
0xd: {  	s5 =	sshll.u32 s20, $0x5;
	s0 =	sadd.s32 s9, s3;
	[dreg:$0x6] =	wrdreg s7  }
0xe: {  	s4 =	sor.u32 $0x7, s5;
	[dreg:$0xb] =	wrdreg s0  }
0xf: {  	s12 =	sor.u32 $0x9, s5;
	[smem:$0x7FB] =	sst s4  }
0x10: {  	s14 =	sor.u32 $0xA, s5;
	[smem:$0x7FC] =	sst s12  }
0x11: {  	s15 =	sor.u32 $0xB, s5;
	[dreg:$0x1d] =	wrdreg s14  }
0x12: {  	s17 =	sor.u32 $0xC, s5;
	[dreg:$0x1e] =	wrdreg s15  }
0x13: {  	s19 =	sor.u32 $0xD, s5;
	[dreg:$0x1f] =	wrdreg s17  }
0x14: {  	s2 =	sadd.s32 s13, s2;
	s21 =	sor.u32 $0xE, s5;
	[dreg:$0x18] =	wrdreg s19  }
0x15: {  	s2 =	sadd.s32 $0x1400, s2;
	[dreg:$0x1c] =	wrdreg s21  }
0x16: {  	s22 =	smax.u32 s18, $0x1;
	[dreg:$0x9] =	wrdreg s2  }
0x17: {  	s26 =	sor.u32 $0xF, s5;
	[dreg:$0xa] =	wrdreg s22  }
0x18: {  	s6 =	sor.u32 $0x11, s5;
	[smem:$0x7FD] =	sst s26  }
0x19: {  	s8 =	sor.u32 $0x13, s5;
	[dreg:$0x1a] =	wrdreg s6  }
0x1a: {  	s9 =	sor.u32 $0x14, s5;
	[dreg:$0x15] =	wrdreg s8  }
0x1b: {  	s11 =	sor.u32 $0x15, s5;
	[dreg:$0x16] =	wrdreg s9  }
0x1c: {  	s13 =	sor.u32 $0x17, s5;
	[dreg:$0x17] =	wrdreg s11  }
0x1d: {  	s18 =	sor.u32 $0x1B, s5;
	[dreg:$0x13] =	wrdreg s13  }
0x1e: {  	s4 =	sor.u32 $0x10, s5;
	[dreg:$0x11] =	wrdreg s18  }
0x1f: {  	s7 =	sor.u32 $0x12, s5;
	[dreg:$0x19] =	wrdreg s4  }
0x20: {  	s12 =	sor.u32 $0x16, s5;
	[dreg:$0x1b] =	wrdreg s7  }
0x21: {  	s14 =	sor.u32 $0x18, s5;
	[dreg:$0x12] =	wrdreg s12  }
0x22: {  	s15 =	sor.u32 $0x19, s5;
	[dreg:$0x14] =	wrdreg s14  }
0x23: {  	s17 =	sor.u32 $0x1A, s5;
	[dreg:$0xf] =	wrdreg s15  }
0x24: {  	s19 =	sor.u32 $0x1C, s5;
	[dreg:$0x10] =	wrdreg s17  }
0x25: {  	s21 =	sor.u32 $0x1D, s5;
	[dreg:$0xc] =	wrdreg s19  }
0x26: {  	s22 =	sor.u32 $0x1E, s5;
	[dreg:$0xd] =	wrdreg s21  }
0x27: {  	s23 =	sor.u32 $0x5, s5;
	[dreg:$0xe] =	wrdreg s22  }
0x28: {  	s24 =	sor.u32 $0x1, s5;
	v5 =	vmov s23;
	s23 =	sld [smem:$0x7FB]  }
0x29: {  	s25 =	sor.u32 $0x4, s5;
	v1 =	vmov s24;
	s24 =	sld [smem:$0x7FC]  }
0x2a: {  	s16 =	sor.u32 $0x3, s5;
	s28 =	sor.u32 $0x6, s5;
	v4 =	vmov s25;
	s25 =	rddreg [dreg:$0x1d]  }
0x2b: {  	s30 =	sor.u32 $0x8, s5;
	v0 =	vmov s5;
	s0 =	sor.u32 $0x2, s5;
	s5 =	rddreg [dreg:$0x1e]  }
0x2c: {  	v3 =	vmov s16;
	s16 =	rddreg [dreg:$0x1f]  }
0x2d: {  	v10 =	vmov s25;
	s25 =	sld [smem:$0x7FD]  }
0x2e: {  	v11 =	vmov s5;
	s5 =	rddreg [dreg:$0x19]  }
0x2f: {  	v12 =	vmov s16;
	s16 =	rddreg [dreg:$0x1a]  }
0x30: {  	v16 =	vmov s5;
	s5 =	rddreg [dreg:$0x17]  }
0x31: {  	v17 =	vmov s16;
	s16 =	rddreg [dreg:$0x12]  }
0x32: {  	v7 =	vmov s23;
	s23 =	rddreg [dreg:$0x18]  }
0x33: {  	s29 =	simm.s32 $0x280;
	s31 =	simm.s32 $0x5280;
	v9 =	vmov s24;
	s24 =	rddreg [dreg:$0x1c]  }
0x34: {  	s20 =	sshllo.u32 s20, $0x5;
	s11 =	simm.s32 $0x13;
	v22 =	vmov s16;
	s16 =	rddreg [dreg:$0x10]  }
0x35: {  	s13 =	simm.s32 $0x20;
	s2 =	simm.s32 $0x1280;
	v13 =	vmov s23;
	s23 =	rddreg [dreg:$0x1b]  }
0x36: {  	s26 =	simm.s32 $0x3280;
	s18 =	simm.s32 $0x4280;
	v14 =	vmov s24;
	s24 =	rddreg [dreg:$0x15]  }
0x37: {  	s6 =	simm.s32 $0x6280;
	s8 =	simm.s32 $0x7280;
	v15 =	vmov s25;
	s25 =	rddreg [dreg:$0x16]  }
0x38: {  	s9 =	simm.s32 $0x8280;
	v6 =	vmov s28;
	s28 =	simm.s32 $0x10;
	v26 =	vmov s16;
	s16 =	rddreg [dreg:$0xd]  }
0x39: {  	v8 =	vmov s30;
	s30 =	simm.s32 $0x12;
	s22 =	simm.s32 $0x2280;
	v18 =	vmov s23;
	s23 =	rddreg [dreg:$0x13]  }
0x3a: {  	s4 =	simm.s32 $0x9280;
	s12 =	simm.s32 $0xA280;
	v19 =	vmov s24;
	s24 =	rddreg [dreg:$0x14]  }
0x3b: {  	s14 =	simm.s32 $0xB280;
	s7 =	simm.s32 $0xC280;
	v20 =	vmov s25;
	s25 =	rddreg [dreg:$0xf]  }
0x3c: {  	v32 =	vimm.f32 $0.0e+00;
	vm0 =	vmmov $0xffff;
	s15 =	simm.s32 $0xD280;
	s17 =	simm.s32 $0xE280;
	v23 =	vmov s23;
	s23 =	rddreg [dreg:$0x11]  }
0x3d: {  	v31 =	vmov s20;
	s19 =	simm.s32 $0xF280;
	s21 =	simm.s32 $0x10280;
	v2 =	vmov s0;
	v24 =	vmov s24;
	s24 =	rddreg [dreg:$0xc]  }
0x3e: {  	s0 =	simm.s32 $0x11;
	v21 =	vmov s5;
	s5 =	simm.s32 $0xD;
	v29 =	vmov s16;
	v28 =	vmov s24;
	s24 =	rddreg [dreg:$0xe]  }
0x3f: {  	s16 =	simm.s32 $0x0;
	v25 =	vmov s25;
	s25 =	simm.s32 $0xF;
	v27 =	vmov s23;
	s23 =	simm.s32 $0xE;
	v30 =	vmov s24  }
.LBB2_1:
0x40: {  	s20 =	rddreg [dreg:$0x6]  }
0x41: {  	[tilespmem:s10], [sflag:$0x13] =	stream.linear.gather [hbm4b:s20+s10], $0x200, $0x38;
	[tilespmem:$0x13280] =	vst v63  }
0x42: {  	_ =	swait.ge [sflag:s11], $0x200  }
0x43: {  	[sflag:s11] =	ssyncset.done $0x0  }
0x44: {  	s24 =	simm.s32 $0x200;
	s20 =	rddreg [dreg:$0x7];
	[sflag:s11] =	ssyncadd.s32 $0xFFFFFE00  }
0x45: {  	[tilespmem:s24], [sflag:$0x13] =	stream.linear.gather [hbm4b:s20+s10], $0x20, $0x38;
	[tilespmem:$0x13280] =	vst v63  }
0x46: {  	_ =	swait.ge [sflag:s11], $0x20  }
0x47: {  	[sflag:s11] =	ssyncset.done $0x0  }
0x48: {  	[sflag:s11] =	ssyncadd.s32 $0xFFFFFFE0  }
0x49: {  	[tilespmem:s29], [sflag:$0x1] =	stream.indirect.gather [hbm4b:s1+s13], $0x80, s10, s13, $0xb8;
	[tilespmem:$0x13280] =	vst v63  }
0x4a: {  	_ = 	snop  }
0x4b: {  	[tilespmem:s2], [sflag:$0x2] =	stream.indirect.gather [hbm4b:s1+s13], $0x80, s13, s13, $0xb8;
	[tilespmem:$0x13280] =	vst v63  }
0x4c: {  	s10 =	simm.s32 $0x40  }
0x4d: {  	[tilespmem:s22], [sflag:$0x3] =	stream.indirect.gather [hbm4b:s1+s13], $0x80, s10, s13, $0xb8;
	[tilespmem:$0x13280] =	vst v63  }
0x4e: {  	s20 =	simm.s32 $0x60  }
0x4f: {  	[tilespmem:s26], [sflag:$0x4] =	stream.indirect.gather [hbm4b:s1+s13], $0x80, s20, s13, $0xb8;
	[tilespmem:$0x13280] =	vst v63  }
0x50: {  	s22 =	simm.s32 $0x80  }
0x51: {  	[tilespmem:s18], [sflag:$0x5] =	stream.indirect.gather [hbm4b:s1+s13], $0x80, s22, s13, $0xb8;
	[tilespmem:$0x13280] =	vst v63  }
0x52: {  	s26 =	simm.s32 $0xA0  }
0x53: {  	[tilespmem:s31], [sflag:$0x6] =	stream.indirect.gather [hbm4b:s1+s13], $0x80, s26, s13, $0xb8;
	[tilespmem:$0x13280] =	vst v63  }
0x54: {  	s31 =	simm.s32 $0xC0  }
0x55: {  	[tilespmem:s6], [sflag:$0x7] =	stream.indirect.gather [hbm4b:s1+s13], $0x80, s31, s13, $0xb8;
	[tilespmem:$0x13280] =	vst v63  }
0x56: {  	s6 =	simm.s32 $0xE0  }
0x57: {  	[tilespmem:s8], [sflag:$0x8] =	stream.indirect.gather [hbm4b:s1+s13], $0x80, s6, s13, $0xb8;
	[tilespmem:$0x13280] =	vst v63  }
0x58: {  	s8 =	simm.s32 $0x100  }
0x59: {  	[tilespmem:s9], [sflag:$0x9] =	stream.indirect.gather [hbm4b:s1+s13], $0x80, s8, s13, $0xb8;
	[tilespmem:$0x13280] =	vst v63  }
0x5a: {  	s9 =	simm.s32 $0x120  }
0x5b: {  	[tilespmem:s4], [sflag:$0xA] =	stream.indirect.gather [hbm4b:s1+s13], $0x80, s9, s13, $0xb8;
	[tilespmem:$0x13280] =	vst v63  }
0x5c: {  	s10 =	simm.s32 $0x140  }
0x5d: {  	[tilespmem:s12], [sflag:$0xB] =	stream.indirect.gather [hbm4b:s1+s13], $0x80, s10, s13, $0xb8;
	[tilespmem:$0x13280] =	vst v63  }
0x5e: {  	s18 =	simm.s32 $0x160  }
0x5f: {  	[tilespmem:s14], [sflag:$0xC] =	stream.indirect.gather [hbm4b:s1+s13], $0x80, s18, s13, $0xb8;
	[tilespmem:$0x13280] =	vst v63  }
0x60: {  	s20 =	simm.s32 $0x180  }
0x61: {  	[tilespmem:s7], [sflag:$0xD] =	stream.indirect.gather [hbm4b:s1+s13], $0x80, s20, s13, $0xb8;
	[tilespmem:$0x13280] =	vst v63  }
0x62: {  	s22 =	simm.s32 $0x1A0  }
0x63: {  	[tilespmem:s15], [sflag:$0xE] =	stream.indirect.gather [hbm4b:s1+s13], $0x80, s22, s13, $0xb8;
	[tilespmem:$0x13280] =	vst v63  }
0x64: {  	s26 =	simm.s32 $0x1C0  }
0x65: {  	[tilespmem:s17], [sflag:$0xF] =	stream.indirect.gather [hbm4b:s1+s13], $0x80, s26, s13, $0xb8;
	[tilespmem:$0x13280] =	vst v63  }
0x66: {  	s31 =	simm.s32 $0x1E0;
	s10 =	simm.s32 $0xA280;
	s12 =	simm.s32 $0xB280  }
0x67: {  	[tilespmem:s19], [sflag:$0x10] =	stream.indirect.gather [hbm4b:s1+s13], $0x80, s31, s13, $0xb8;
	[tilespmem:$0x13280] =	vst v63  }
0x68: {  	s14 =	simm.s32 $0xD280;
	s20 =	simm.s32 $0x0;
	s7 =	simm.s32 $0xC280  }
0x69: {  	[tilespmem:s21], [sflag:$0x11] =	stream.indirect.gather [hbm4b:s1+s13], $0x80, s24, s13, $0xb8;
	[tilespmem:$0x13280] =	vst v63  }
0x6a: {  	s15 =	simm.s32 $0xE280;
	s17 =	simm.s32 $0xF280;
	s24 =	simm.s32 $0x200  }
.LBB2_2:
0x6b: {  	p0 =	sne.s32 s24, $0x3E00;
	[tilespmem:s20+$0x112F0] =	vst v32  }
0x6c: {  	[tilespmem:s20+$0x11280] =	vst v32  }
0x6d: {  	[tilespmem:s20+$0x11290] =	vst v32  }
.Ltmp0:
0x6e: {  	[tilespmem:s20+$0x112A0] =	vst v32;
	(pc) =	sbr.rel @p0 .LBB2_2-.Ltmp0, $4  }
0x6f: {  	[tilespmem:s20+$0x112B0] =	vst v32  }
0x70: {  	[tilespmem:s20+$0x112C0] =	vst v32  }
0x71: {  	[tilespmem:s20+$0x112D0] =	vst v32  }
0x72: {  	[tilespmem:s20+$0x112E0] =	vst v32;
	s20 =	sshra.s32 s24, $0x2;
	s24 =	sadd.s32 $0x200, s24  }
0x73: {  	[tilespmem:s20+$0x112F0] =	vst v32  }
0x74: {  	[tilespmem:s20+$0x11280] =	vst v32  }
0x75: {  	[tilespmem:s20+$0x11290] =	vst v32  }
0x76: {  	[tilespmem:s20+$0x112A0] =	vst v32  }
0x77: {  	[tilespmem:s20+$0x112B0] =	vst v32  }
0x78: {  	[tilespmem:s20+$0x112C0] =	vst v32  }
0x79: {  	[tilespmem:s20+$0x112D0] =	vst v32  }
0x7a: {  	[tilespmem:s20+$0x112E0] =	vst v32;
	s24 =	rddreg [dreg:$0xb];
	s2 =	simm.s32 $0x11280  }
0x7b: {  	[spmem:s24] =	stream.linear.scatter [tilespmem:s2], [sflag:$0x13], $0x1000, $0x38;
	[tilespmem:$0x13280] =	vst v63  }
0x7c: {  	_ =	swait.ge [sflag:s11], $0x1000  }
0x7d: {  	[sflag:s11] =	ssyncset.done $0x0  }
0x7e: {  	s26 =	simm.s32 $0x1;
	[sflag:s11] =	ssyncadd.s32 $0xFFFFF000  }
0x7f: {  	_ =	swait.ge [sflag:s26], $0x1000  }
0x80: {  	[sflag:s26] =	ssyncset.done $0x0  }
0x81: {  	[sflag:s26] =	ssyncadd.s32 $0xFFFFF000  }
0x82: {  	[spmem:s3] =	stream.indirect_vreg.scatter.add.f32 [tilespmem:s29], [sflag:$0x12], $0x80, v0, vm0, $0xb8;
	[tilespmem:$0x13280] =	vst v63  }
0x83: {  	s4 =	simm.s32 $0xA80;
	s6 =	simm.s32 $0x2  }
0x84: {  	[spmem:s3] =	stream.indirect_vreg.scatter.add.f32 [tilespmem:s4], [sflag:$0x12], $0x80, v1, vm0, $0xb8;
	[tilespmem:$0x13280] =	vst v63  }
0x85: {  	_ =	swait.ge [sflag:s6], $0x1000  }
0x86: {  	[sflag:s6] =	ssyncset.done $0x0  }
0x87: {  	s2 =	simm.s32 $0x1280;
	[sflag:s6] =	ssyncadd.s32 $0xFFFFF000  }
0x88: {  	[spmem:s3] =	stream.indirect_vreg.scatter.add.f32 [tilespmem:s2], [sflag:$0x12], $0x80, v2, vm0, $0xb8;
	[tilespmem:$0x13280] =	vst v63  }
0x89: {  	s8 =	simm.s32 $0x3;
	s4 =	simm.s32 $0x1A80  }
0x8a: {  	[spmem:s3] =	stream.indirect_vreg.scatter.add.f32 [tilespmem:s4], [sflag:$0x12], $0x80, v3, vm0, $0xb8;
	[tilespmem:$0x13280] =	vst v63  }
0x8b: {  	_ =	swait.ge [sflag:s8], $0x1000  }
0x8c: {  	[sflag:s8] =	ssyncset.done $0x0  }
0x8d: {  	s22 =	simm.s32 $0x2280;
	[sflag:s8] =	ssyncadd.s32 $0xFFFFF000  }
0x8e: {  	[spmem:s3] =	stream.indirect_vreg.scatter.add.f32 [tilespmem:s22], [sflag:$0x12], $0x80, v4, vm0, $0xb8;
	[tilespmem:$0x13280] =	vst v63  }
0x8f: {  	s9 =	simm.s32 $0x2A80;
	s18 =	simm.s32 $0x4  }
0x90: {  	[spmem:s3] =	stream.indirect_vreg.scatter.add.f32 [tilespmem:s9], [sflag:$0x12], $0x80, v5, vm0, $0xb8;
	[tilespmem:$0x13280] =	vst v63  }
0x91: {  	_ =	swait.ge [sflag:s18], $0x1000  }
0x92: {  	[sflag:s18] =	ssyncset.done $0x0  }
0x93: {  	s26 =	simm.s32 $0x3280;
	[sflag:s18] =	ssyncadd.s32 $0xFFFFF000  }
0x94: {  	[spmem:s3] =	stream.indirect_vreg.scatter.add.f32 [tilespmem:s26], [sflag:$0x12], $0x80, v6, vm0, $0xb8;
	[tilespmem:$0x13280] =	vst v63  }
0x95: {  	s19 =	simm.s32 $0x3A80;
	s20 =	simm.s32 $0x5  }
0x96: {  	[spmem:s3] =	stream.indirect_vreg.scatter.add.f32 [tilespmem:s19], [sflag:$0x12], $0x80, v7, vm0, $0xb8;
	[tilespmem:$0x13280] =	vst v63  }
0x97: {  	_ =	swait.ge [sflag:s20], $0x1000  }
0x98: {  	[sflag:s20] =	ssyncset.done $0x0  }
0x99: {  	s18 =	simm.s32 $0x4280;
	[sflag:s20] =	ssyncadd.s32 $0xFFFFF000  }
0x9a: {  	[spmem:s3] =	stream.indirect_vreg.scatter.add.f32 [tilespmem:s18], [sflag:$0x12], $0x80, v8, vm0, $0xb8;
	[tilespmem:$0x13280] =	vst v63  }
0x9b: {  	s21 =	simm.s32 $0x4A80;
	s6 =	simm.s32 $0x6  }
0x9c: {  	[spmem:s3] =	stream.indirect_vreg.scatter.add.f32 [tilespmem:s21], [sflag:$0x12], $0x80, v9, vm0, $0xb8;
	[tilespmem:$0x13280] =	vst v63  }
0x9d: {  	_ =	swait.ge [sflag:s6], $0x1000  }
0x9e: {  	[sflag:s6] =	ssyncset.done $0x0  }
0x9f: {  	s31 =	simm.s32 $0x5280;
	[sflag:s6] =	ssyncadd.s32 $0xFFFFF000  }
0xa0: {  	[spmem:s3] =	stream.indirect_vreg.scatter.add.f32 [tilespmem:s31], [sflag:$0x12], $0x80, v10, vm0, $0xb8;
	[tilespmem:$0x13280] =	vst v63  }
0xa1: {  	s8 =	simm.s32 $0x5A80;
	s9 =	simm.s32 $0x7  }
0xa2: {  	[spmem:s3] =	stream.indirect_vreg.scatter.add.f32 [tilespmem:s8], [sflag:$0x12], $0x80, v11, vm0, $0xb8;
	[tilespmem:$0x13280] =	vst v63  }
0xa3: {  	_ =	swait.ge [sflag:s9], $0x1000  }
0xa4: {  	[sflag:s9] =	ssyncset.done $0x0  }
0xa5: {  	s6 =	simm.s32 $0x6280;
	[sflag:s9] =	ssyncadd.s32 $0xFFFFF000  }
0xa6: {  	[spmem:s3] =	stream.indirect_vreg.scatter.add.f32 [tilespmem:s6], [sflag:$0x12], $0x80, v12, vm0, $0xb8;
	[tilespmem:$0x13280] =	vst v63  }
0xa7: {  	s19 =	simm.s32 $0x6A80;
	s20 =	simm.s32 $0x8  }
0xa8: {  	[spmem:s3] =	stream.indirect_vreg.scatter.add.f32 [tilespmem:s19], [sflag:$0x12], $0x80, v13, vm0, $0xb8;
	[tilespmem:$0x13280] =	vst v63  }
0xa9: {  	_ =	swait.ge [sflag:s20], $0x1000  }
0xaa: {  	[sflag:s20] =	ssyncset.done $0x0  }
0xab: {  	s8 =	simm.s32 $0x7280;
	[sflag:s20] =	ssyncadd.s32 $0xFFFFF000  }
0xac: {  	[spmem:s3] =	stream.indirect_vreg.scatter.add.f32 [tilespmem:s8], [sflag:$0x12], $0x80, v14, vm0, $0xb8;
	[tilespmem:$0x13280] =	vst v63  }
0xad: {  	s21 =	simm.s32 $0x7A80;
	s9 =	simm.s32 $0x9  }
0xae: {  	[spmem:s3] =	stream.indirect_vreg.scatter.add.f32 [tilespmem:s21], [sflag:$0x12], $0x80, v15, vm0, $0xb8;
	[tilespmem:$0x13280] =	vst v63  }
0xaf: {  	_ =	swait.ge [sflag:s9], $0x1000  }
0xb0: {  	[sflag:s9] =	ssyncset.done $0x0  }
0xb1: {  	[sflag:s9] =	ssyncadd.s32 $0xFFFFF000;
	s9 =	simm.s32 $0x8280  }
0xb2: {  	[spmem:s3] =	stream.indirect_vreg.scatter.add.f32 [tilespmem:s9], [sflag:$0x12], $0x80, v16, vm0, $0xb8;
	[tilespmem:$0x13280] =	vst v63  }
0xb3: {  	s19 =	simm.s32 $0x8A80;
	s20 =	simm.s32 $0xA  }
0xb4: {  	[spmem:s3] =	stream.indirect_vreg.scatter.add.f32 [tilespmem:s19], [sflag:$0x12], $0x80, v17, vm0, $0xb8;
	[tilespmem:$0x13280] =	vst v63  }
0xb5: {  	_ =	swait.ge [sflag:s20], $0x1000  }
0xb6: {  	[sflag:s20] =	ssyncset.done $0x0  }
0xb7: {  	s4 =	simm.s32 $0x9280;
	[sflag:s20] =	ssyncadd.s32 $0xFFFFF000  }
0xb8: {  	[spmem:s3] =	stream.indirect_vreg.scatter.add.f32 [tilespmem:s4], [sflag:$0x12], $0x80, v18, vm0, $0xb8;
	[tilespmem:$0x13280] =	vst v63  }
0xb9: {  	s21 =	simm.s32 $0xB;
	s19 =	simm.s32 $0x9A80  }
0xba: {  	[spmem:s3] =	stream.indirect_vreg.scatter.add.f32 [tilespmem:s19], [sflag:$0x12], $0x80, v19, vm0, $0xb8;
	[tilespmem:$0x13280] =	vst v63  }
0xbb: {  	_ =	swait.ge [sflag:s21], $0x1000  }
0xbc: {  	[sflag:s21] =	ssyncset.done $0x0  }
0xbd: {  	[sflag:s21] =	ssyncadd.s32 $0xFFFFF000  }
0xbe: {  	[spmem:s3] =	stream.indirect_vreg.scatter.add.f32 [tilespmem:s10], [sflag:$0x12], $0x80, v20, vm0, $0xb8;
	[tilespmem:$0x13280] =	vst v63  }
0xbf: {  	s20 =	simm.s32 $0xC;
	s19 =	simm.s32 $0xAA80  }
0xc0: {  	[spmem:s3] =	stream.indirect_vreg.scatter.add.f32 [tilespmem:s19], [sflag:$0x12], $0x80, v21, vm0, $0xb8;
	[tilespmem:$0x13280] =	vst v63  }
0xc1: {  	_ =	swait.ge [sflag:s20], $0x1000  }
0xc2: {  	[sflag:s20] =	ssyncset.done $0x0  }
0xc3: {  	[sflag:s20] =	ssyncadd.s32 $0xFFFFF000  }
0xc4: {  	[spmem:s3] =	stream.indirect_vreg.scatter.add.f32 [tilespmem:s12], [sflag:$0x12], $0x80, v22, vm0, $0xb8;
	[tilespmem:$0x13280] =	vst v63  }
0xc5: {  	s21 =	simm.s32 $0xBA80  }
0xc6: {  	[spmem:s3] =	stream.indirect_vreg.scatter.add.f32 [tilespmem:s21], [sflag:$0x12], $0x80, v23, vm0, $0xb8;
	[tilespmem:$0x13280] =	vst v63  }
0xc7: {  	_ =	swait.ge [sflag:s5], $0x1000  }
0xc8: {  	[sflag:s5] =	ssyncset.done $0x0  }
0xc9: {  	[sflag:s5] =	ssyncadd.s32 $0xFFFFF000  }
0xca: {  	[spmem:s3] =	stream.indirect_vreg.scatter.add.f32 [tilespmem:s7], [sflag:$0x12], $0x80, v24, vm0, $0xb8;
	[tilespmem:$0x13280] =	vst v63  }
0xcb: {  	s12 =	simm.s32 $0xCA80  }
0xcc: {  	[spmem:s3] =	stream.indirect_vreg.scatter.add.f32 [tilespmem:s12], [sflag:$0x12], $0x80, v25, vm0, $0xb8;
	[tilespmem:$0x13280] =	vst v63  }
0xcd: {  	_ =	swait.ge [sflag:s23], $0x1000  }
0xce: {  	[sflag:s23] =	ssyncset.done $0x0  }
0xcf: {  	[sflag:s23] =	ssyncadd.s32 $0xFFFFF000  }
0xd0: {  	[spmem:s3] =	stream.indirect_vreg.scatter.add.f32 [tilespmem:s14], [sflag:$0x12], $0x80, v26, vm0, $0xb8;
	[tilespmem:$0x13280] =	vst v63  }
0xd1: {  	s19 =	simm.s32 $0xDA80  }
0xd2: {  	[spmem:s3] =	stream.indirect_vreg.scatter.add.f32 [tilespmem:s19], [sflag:$0x12], $0x80, v27, vm0, $0xb8;
	[tilespmem:$0x13280] =	vst v63  }
0xd3: {  	_ =	swait.ge [sflag:s25], $0x1000  }
0xd4: {  	[sflag:s25] =	ssyncset.done $0x0  }
0xd5: {  	[sflag:s25] =	ssyncadd.s32 $0xFFFFF000  }
0xd6: {  	[spmem:s3] =	stream.indirect_vreg.scatter.add.f32 [tilespmem:s15], [sflag:$0x12], $0x80, v28, vm0, $0xb8;
	[tilespmem:$0x13280] =	vst v63  }
0xd7: {  	s20 =	simm.s32 $0xEA80  }
0xd8: {  	[spmem:s3] =	stream.indirect_vreg.scatter.add.f32 [tilespmem:s20], [sflag:$0x12], $0x80, v29, vm0, $0xb8;
	[tilespmem:$0x13280] =	vst v63  }
0xd9: {  	_ =	swait.ge [sflag:s28], $0x1000  }
0xda: {  	[sflag:s28] =	ssyncset.done $0x0  }
0xdb: {  	[sflag:s28] =	ssyncadd.s32 $0xFFFFF000  }
0xdc: {  	[spmem:s3] =	stream.indirect_vreg.scatter.add.f32 [tilespmem:s17], [sflag:$0x12], $0x80, v30, vm0, $0xb8;
	[tilespmem:$0x13280] =	vst v63  }
0xdd: {  	s21 =	simm.s32 $0xFA80  }
0xde: {  	[spmem:s3] =	stream.indirect_vreg.scatter.add.f32 [tilespmem:s21], [sflag:$0x12], $0x80, v31, vm0, $0xb8;
	[tilespmem:$0x13280] =	vst v63  }
0xdf: {  	_ =	swait.ge [sflag:s30], $0x800  }
0xe0: {  	[sflag:s30] =	ssyncset.done $0x0  }
0xe1: {  	[sflag:s30] =	ssyncadd.s32 $0xFFFFF800  }
0xe2: {  	_ =	swait.ge [sflag:s30], $0x800  }
0xe3: {  	[sflag:s30] =	ssyncset.done $0x0  }
0xe4: {  	[sflag:s30] =	ssyncadd.s32 $0xFFFFF800  }
0xe5: {  	_ =	swait.ge [sflag:s30], $0x800  }
0xe6: {  	[sflag:s30] =	ssyncset.done $0x0  }
0xe7: {  	[sflag:s30] =	ssyncadd.s32 $0xFFFFF800  }
0xe8: {  	_ =	swait.ge [sflag:s30], $0x800  }
0xe9: {  	[sflag:s30] =	ssyncset.done $0x0  }
0xea: {  	[sflag:s30] =	ssyncadd.s32 $0xFFFFF800  }
0xeb: {  	_ =	swait.ge [sflag:s30], $0x800  }
0xec: {  	[sflag:s30] =	ssyncset.done $0x0  }
0xed: {  	[sflag:s30] =	ssyncadd.s32 $0xFFFFF800  }
0xee: {  	_ =	swait.ge [sflag:s30], $0x800  }
0xef: {  	[sflag:s30] =	ssyncset.done $0x0  }
0xf0: {  	[sflag:s30] =	ssyncadd.s32 $0xFFFFF800  }
0xf1: {  	_ =	swait.ge [sflag:s30], $0x800  }
0xf2: {  	[sflag:s30] =	ssyncset.done $0x0  }
0xf3: {  	[sflag:s30] =	ssyncadd.s32 $0xFFFFF800  }
0xf4: {  	_ =	swait.ge [sflag:s30], $0x800  }
0xf5: {  	[sflag:s30] =	ssyncset.done $0x0  }
0xf6: {  	[sflag:s30] =	ssyncadd.s32 $0xFFFFF800  }
0xf7: {  	_ =	swait.ge [sflag:s30], $0x800  }
0xf8: {  	[sflag:s30] =	ssyncset.done $0x0  }
0xf9: {  	[sflag:s30] =	ssyncadd.s32 $0xFFFFF800  }
0xfa: {  	_ =	swait.ge [sflag:s30], $0x800  }
0xfb: {  	[sflag:s30] =	ssyncset.done $0x0  }
0xfc: {  	[sflag:s30] =	ssyncadd.s32 $0xFFFFF800  }
0xfd: {  	_ =	swait.ge [sflag:s30], $0x800  }
0xfe: {  	[sflag:s30] =	ssyncset.done $0x0  }
0xff: {  	[sflag:s30] =	ssyncadd.s32 $0xFFFFF800  }
0x100: {  	_ =	swait.ge [sflag:s30], $0x800  }
0x101: {  	[sflag:s30] =	ssyncset.done $0x0  }
0x102: {  	[sflag:s30] =	ssyncadd.s32 $0xFFFFF800  }
0x103: {  	_ =	swait.ge [sflag:s30], $0x800  }
0x104: {  	[sflag:s30] =	ssyncset.done $0x0  }
0x105: {  	[sflag:s30] =	ssyncadd.s32 $0xFFFFF800  }
0x106: {  	_ =	swait.ge [sflag:s30], $0x800  }
0x107: {  	[sflag:s30] =	ssyncset.done $0x0  }
0x108: {  	[sflag:s30] =	ssyncadd.s32 $0xFFFFF800  }
0x109: {  	_ =	swait.ge [sflag:s30], $0x800  }
0x10a: {  	[sflag:s30] =	ssyncset.done $0x0  }
0x10b: {  	[sflag:s30] =	ssyncadd.s32 $0xFFFFF800  }
0x10c: {  	_ =	swait.ge [sflag:s30], $0x800  }
0x10d: {  	[sflag:s30] =	ssyncset.done $0x0  }
0x10e: {  	[sflag:s30] =	ssyncadd.s32 $0xFFFFF800  }
0x10f: {  	_ =	swait.ge [sflag:s30], $0x800  }
0x110: {  	[sflag:s30] =	ssyncset.done $0x0  }
0x111: {  	[sflag:s30] =	ssyncadd.s32 $0xFFFFF800  }
0x112: {  	_ =	swait.ge [sflag:s30], $0x800  }
0x113: {  	[sflag:s30] =	ssyncset.done $0x0  }
0x114: {  	[sflag:s30] =	ssyncadd.s32 $0xFFFFF800  }
0x115: {  	_ =	swait.ge [sflag:s30], $0x800  }
0x116: {  	[sflag:s30] =	ssyncset.done $0x0  }
0x117: {  	[sflag:s30] =	ssyncadd.s32 $0xFFFFF800  }
0x118: {  	_ =	swait.ge [sflag:s30], $0x800  }
0x119: {  	[sflag:s30] =	ssyncset.done $0x0  }
0x11a: {  	[sflag:s30] =	ssyncadd.s32 $0xFFFFF800  }
0x11b: {  	_ =	swait.ge [sflag:s30], $0x800  }
0x11c: {  	[sflag:s30] =	ssyncset.done $0x0  }
0x11d: {  	[sflag:s30] =	ssyncadd.s32 $0xFFFFF800  }
0x11e: {  	_ =	swait.ge [sflag:s30], $0x800  }
0x11f: {  	[sflag:s30] =	ssyncset.done $0x0  }
0x120: {  	[sflag:s30] =	ssyncadd.s32 $0xFFFFF800  }
0x121: {  	_ =	swait.ge [sflag:s30], $0x800  }
0x122: {  	[sflag:s30] =	ssyncset.done $0x0  }
0x123: {  	[sflag:s30] =	ssyncadd.s32 $0xFFFFF800  }
0x124: {  	_ =	swait.ge [sflag:s30], $0x800  }
0x125: {  	[sflag:s30] =	ssyncset.done $0x0  }
0x126: {  	[sflag:s30] =	ssyncadd.s32 $0xFFFFF800  }
0x127: {  	_ =	swait.ge [sflag:s30], $0x800  }
0x128: {  	[sflag:s30] =	ssyncset.done $0x0  }
0x129: {  	[sflag:s30] =	ssyncadd.s32 $0xFFFFF800  }
0x12a: {  	_ =	swait.ge [sflag:s30], $0x800  }
0x12b: {  	[sflag:s30] =	ssyncset.done $0x0  }
0x12c: {  	[sflag:s30] =	ssyncadd.s32 $0xFFFFF800  }
0x12d: {  	_ =	swait.ge [sflag:s30], $0x800  }
0x12e: {  	[sflag:s30] =	ssyncset.done $0x0  }
0x12f: {  	[sflag:s30] =	ssyncadd.s32 $0xFFFFF800  }
0x130: {  	_ =	swait.ge [sflag:s30], $0x800  }
0x131: {  	[sflag:s30] =	ssyncset.done $0x0  }
0x132: {  	[sflag:s30] =	ssyncadd.s32 $0xFFFFF800  }
0x133: {  	_ =	swait.ge [sflag:s30], $0x800  }
0x134: {  	[sflag:s30] =	ssyncset.done $0x0  }
0x135: {  	[sflag:s30] =	ssyncadd.s32 $0xFFFFF800  }
0x136: {  	_ =	swait.ge [sflag:s30], $0x800  }
0x137: {  	[sflag:s30] =	ssyncset.done $0x0  }
0x138: {  	[sflag:s30] =	ssyncadd.s32 $0xFFFFF800  }
0x139: {  	_ =	swait.ge [sflag:s30], $0x800  }
0x13a: {  	[sflag:s30] =	ssyncset.done $0x0  }
0x13b: {  	[sflag:s30] =	ssyncadd.s32 $0xFFFFF800  }
0x13c: {  	_ =	swait.ge [sflag:s30], $0x800  }
0x13d: {  	[sflag:s30] =	ssyncset.done $0x0  }
0x13e: {  	[sflag:s30] =	ssyncadd.s32 $0xFFFFF800  }
0x13f: {  	_ =	swait.ge [sflag:s0], $0x1000  }
0x140: {  	s10 =	simm.s32 $0x0;
	[sflag:s0] =	ssyncset.done $0x0  }
0x141: {  	s21 =	simm.s32 $0x10280;
	s20 =	rddreg [dreg:$0x8];
	[sflag:s0] =	ssyncadd.s32 $0xFFFFF000  }
0x142: {  	[hbm4b:s20+s10] =	stream.linear.scatter [tilespmem:s21], [sflag:$0x13], $0x1000, $0x38;
	[tilespmem:$0x13280] =	vst v63  }
0x143: {  	s20 =	stileid.u32;
	_ =	swait.ge [sflag:s11], $0x1000  }
0x144: {  	s24 =	sshrl.u32 s24, $0x3;
	s20 =	sshll.u32 s20, $0x6;
	[sflag:s11] =	ssyncset.done $0x0  }
0x145: {  	s20 =	sor.u32 $0x1C13, s20;
	s29 =	rddreg [dreg:$0x9];
	[sflag:s11] =	ssyncadd.s32 $0xFFFFF000  }
0x146: {  	[hbm:s29], [sflag:s20] =	dma.local [spmem:s24], $0x200  }
0x147: {  	_ =	swait.ge [sflag:s11], $0x200  }
0x148: {  	s16 =	sadd.s32 $0x1, s16;
	s24 =	rddreg [dreg:$0xa]  }
0x149: {  	p0 =	sne.s32 s16, s24  }
.Ltmp1:
0x14a: {  	_ = 	snop;
	(pc) =	sbr.rel @p0 .LBB2_1-.Ltmp1, $4  }
0x14b: {  	_ = 	snop  }
0x14c: {  	s7 =	simm.s32 $0xC280;
	s12 =	simm.s32 $0xA280;
	s14 =	simm.s32 $0xB280  }
0x14d: {  	s19 =	simm.s32 $0xF280;
	s15 =	simm.s32 $0xD280;
	[sflag:s11] =	ssyncset.done $0x0  }
0x14e: {  	s17 =	simm.s32 $0xE280;
	s29 =	simm.s32 $0x280;
	[sflag:s11] =	ssyncadd.s32 $0xFFFFFE00  }
0x14f: {  	_ =	sfence.sel $0x180000  }
0x150: {  	[bflag:$0x0] =	sbarrier.arrive $0xFFFF  }
0x151: {  	_ =	strace $0x90000047  }
0x152: {  	s0 =	stileid.u32;
	[bflag:$0x2] =	sbarrier.arrive $0xFFFF  }
0x153: {  	p0 =	sne.s32 s0, $0x0;
	s0 =	rddreg [dreg:$0x5]  }
0x154: {  	s0 =	sadd.s32 @!p0 $0x100000, s0  }
0x155: {  	[sflag:s0] =	ssyncadd.tile.s32 @!p0 $0x1;
	_ =	shalt  }
.Lfunc_end2:
_tile_overlayer_lowered:
.L_overlay_start_2:
0x156: {  	(tag) =	ssettag $0x2  }
0x157: {  	s0 =	rddreg [dreg:$0x0];
	s2 =	stileid.u32  }
0x158: {  	s1 =	rddreg [dreg:$0x1];
	p0 =	sne.s32 s2, $0x0  }
0x159: {  	s3 =	rddreg [dreg:$0x2];
	[bflag:$0x3] =	sbarrier.arrive $0xFFFF;
	s2 =	simm.s32 @!p0 $0x1C13  }
0x15a: {  	[timem:s3], [sflag:s2] =	dma.local @!p0 [hbm:s0], s1  }
0x15b: {  	s0 =	simm.s32 @!p0 $0x13  }
0x15c: {  	_ =	swait.ge @!p0 [sflag:s0], s1  }
0x15d: {  	s1 =	ssub.s32 @!p0 $0x0, s1;
	[sflag:s0] =	ssyncset.done @!p0 $0x0  }
0x15e: {  	[sflag:s0] =	ssyncadd.s32 @!p0 s1  }
0x15f: {  	[bflag:$0x3] =	sbarrier.arrive $0xFFFF  }
0x160: {  	_ =	shalt  }

</sc_bundles>
